<compile_context>
chip_gen: v7x
topology: tpu7x:2x2x1
jax: 0.10.2.dev20260603
libtpu: 0.0.44.dev20260713+nightly
codegen_flags: <defaults>
</compile_context>

<pallas_src>
import functools

import jax
import jax.numpy as jnp
from jax import lax
from jax.experimental import pallas as pl
from jax.experimental.pallas import tpu as pltpu
from jax.experimental.pallas import tpu_sc as plsc

NUM_CLASSES = 100000
DIM = 128
BATCH = 16384
NC = 2
NS = 16
NW = NC * NS
ROWS_PER_W = BATCH // NW
SUB = 128
NSUB = ROWS_PER_W // SUB
HIST_PER_TILE = 6272
HIST_PAD = NS * HIST_PER_TILE
Y_PER_TILE = BATCH // NS

_mesh = plsc.VectorSubcoreMesh(core_axis_name="c", subcore_axis_name="s")


@functools.partial(
    pl.kernel,
    out_type=(jax.ShapeDtypeStruct((BATCH, DIM), jnp.float32),
              jax.ShapeDtypeStruct((NW, ROWS_PER_W), jnp.float32)),
    mesh=_mesh,
    scratch_types=[
        pltpu.VMEM((HIST_PER_TILE,), jnp.float32),
        pltpu.VMEM((Y_PER_TILE,), jnp.float32),
        pltpu.VMEM((Y_PER_TILE,), jnp.int32),
        pltpu.VMEM((ROWS_PER_W,), jnp.int32),
        pltpu.VMEM((ROWS_PER_W,), jnp.float32),
        pltpu.VMEM((ROWS_PER_W,), jnp.float32),
        pltpu.VMEM((ROWS_PER_W, DIM), jnp.float32),
        pltpu.VMEM_SHARED((HIST_PAD,), jnp.float32),
        pltpu.SemaphoreType.DMA,
    ],
)
def _sc_stage(y_hbm, centers_hbm, gat_hbm, inv_hbm,
              zbuf, ones_v, ych, idx_v, cnt_v, inv_v, gbuf, hist, sem_g):
    cid = lax.axis_index("c")
    sid = lax.axis_index("s")
    wid = cid * NS + sid
    base = wid * ROWS_PER_W

    zeros16 = jnp.zeros((16,), jnp.float32)
    ones16 = jnp.ones((16,), jnp.float32)

    pltpu.sync_copy(y_hbm.at[pl.ds(base, ROWS_PER_W)], idx_v)
    for t in range(NSUB):
        pltpu.async_copy(
            centers_hbm.at[idx_v.at[pl.ds(t * SUB, SUB)]],
            gbuf.at[pl.ds(t * SUB, SUB)], sem_g)

    with jax.named_scope("fills"):
        def fill_z(i, carry):
            zbuf[pl.ds(i * 16, 16)] = zeros16
            return carry

        lax.fori_loop(0, HIST_PER_TILE // 16, fill_z, 0, unroll=8)

        def fill_o(i, carry):
            ones_v[pl.ds(i * 16, 16)] = ones16
            return carry

        lax.fori_loop(0, Y_PER_TILE // 16, fill_o, 0, unroll=8)

    with jax.named_scope("hist"):
        pltpu.sync_copy(zbuf, hist.at[pl.ds(sid * HIST_PER_TILE, HIST_PER_TILE)])
        pltpu.sync_copy(y_hbm.at[pl.ds(sid * Y_PER_TILE, Y_PER_TILE)], ych)
        plsc.subcore_barrier()
        pltpu.sync_copy(ones_v, hist.at[ych], add=True)
        plsc.subcore_barrier()

    with jax.named_scope("counts"):
        pltpu.sync_copy(hist.at[idx_v], cnt_v)

        def fill_inv(i, carry):
            c16 = cnt_v[pl.ds(i * 16, 16)]
            inv_v[pl.ds(i * 16, 16)] = 0.5 / (c16 + 1.0)
            return carry

        lax.fori_loop(0, ROWS_PER_W // 16, fill_inv, 0, unroll=8)
        pltpu.sync_copy(inv_v, inv_hbm.at[wid])

    with jax.named_scope("drain"):
        for t in range(NSUB):
            pltpu.make_async_copy(
                centers_hbm.at[idx_v.at[pl.ds(t * SUB, SUB)]],
                gbuf.at[pl.ds(t * SUB, SUB)], sem_g).wait()
        pltpu.sync_copy(gbuf, gat_hbm.at[pl.ds(base, ROWS_PER_W)])


_GRID = 16
_RB = BATCH // DIM // _GRID


def _tc_body(h_ref, g_ref, iv_ref, acc_ref, o_ref):
    d = h_ref[...] - g_ref[...]
    w = d * d * iv_ref[0][:, :, None]
    p = ((w[0] + w[1]) + (w[2] + w[3])) + ((w[4] + w[5]) + (w[6] + w[7]))

    @pl.when(pl.program_id(0) == 0)
    def _():
        acc_ref[...] = jnp.zeros_like(acc_ref)

    acc_ref[...] += p

    @pl.when(pl.program_id(0) == _GRID - 1)
    def _():
        o_ref[0, 0] = jnp.sum(acc_ref[...])


_tc_loss = pl.pallas_call(
    _tc_body,
    grid=(_GRID,),
    in_specs=[
        pl.BlockSpec((_RB, DIM, DIM), lambda i: (i, 0, 0)),
        pl.BlockSpec((_RB, DIM, DIM), lambda i: (i, 0, 0)),
        pl.BlockSpec((1, _RB, DIM), lambda i: (i, 0, 0)),
    ],
    out_specs=[pl.BlockSpec((DIM, DIM), lambda i: (0, 0)),
               pl.BlockSpec(memory_space=pltpu.SMEM)],
    out_shape=[jax.ShapeDtypeStruct((DIM, DIM), jnp.float32),
               jax.ShapeDtypeStruct((1, 1), jnp.float32)],
)


def kernel(y, hidden, centers):
    gat, inv = _sc_stage(y.astype(jnp.int32), centers)
    h3 = hidden.reshape(BATCH // DIM, DIM, DIM)
    g3 = gat.reshape(BATCH // DIM, DIM, DIM)
    iv2 = inv.reshape(_GRID, _RB, DIM)
    _, out = _tc_loss(h3, g3, iv2)
    return out[0, 0]

# --- scband reference (transcript-rebuilt; emitter-appended) ---
"""Pipeline reference for scband-center-loss-56023553409155 (READ-ONLY COPY).

The authoritative reference and input builder live on the scoring server;
editing this copy changes nothing except your own understanding.
"""

import jax, jax.numpy as jnp
import numpy as np

NUM_CLASSES = 100000
DIM_HIDDEN = 128
BATCH = 16384
LAMBDA_C = 1.0


def setup_inputs(seed: int = 0) -> dict:
    key = jax.random.key(seed)
    k1, k2, k3 = jax.random.split(key, 3)
    y = jax.random.randint(k1, (BATCH,), 0, NUM_CLASSES, dtype=jnp.int64 if jax.config.jax_enable_x64 else jnp.int32)
    hidden = jax.random.normal(k2, (BATCH, DIM_HIDDEN), dtype=jnp.float32)
    centers = jax.random.normal(k3, (NUM_CLASSES, DIM_HIDDEN), dtype=jnp.float32)
    return {"y": y, "hidden": hidden, "centers": centers}


def reference(y, hidden, centers):
    num_classes = centers.shape[0]
    # torch.histc(y.float(), bins=num_classes, min=0, max=num_classes) with unit-width
    # bins is equivalent to bincount for integer labels in [0, num_classes).
    hist = jnp.bincount(y.astype(jnp.int32), length=num_classes).astype(jnp.float32) + 1.0
    centers_count = jnp.take(hist, y, axis=0)          # gather [B]
    centers_pred = jnp.take(centers, y, axis=0)        # gather [B, D]
    diff = hidden - centers_pred
    loss = LAMBDA_C / 2.0 * jnp.sum(jnp.sum(diff * diff, axis=1) / centers_count)
    return loss

if __name__ == "__main__":
    import jax
    _d = setup_inputs()
    print(jax.jit(kernel)(*tuple(_d.values())))

</pallas_src>

<mosaic_0001>
#map = affine_map<(d0, d1) -> (0)>
#map1 = affine_map<(d0, d1) -> (0, 0)>
module attributes {stable_mosaic.version = 14 : i64} {
  func.func @_sc_stage(%arg0: i32, %arg1: i32, %arg2: memref<16384xi32, #tpu.memory_space<hbm>>, %arg3: memref<100000x128xf32, #tpu.memory_space<hbm>>, %arg4: memref<16384x128xf32, #tpu.memory_space<hbm>>, %arg5: memref<32x512xf32, #tpu.memory_space<hbm>>, %arg6: memref<6272xf32, #tpu.memory_space<vmem>>, %arg7: memref<1024xf32, #tpu.memory_space<vmem>>, %arg8: memref<1024xi32, #tpu.memory_space<vmem>>, %arg9: memref<512xi32, #tpu.memory_space<vmem>>, %arg10: memref<512xf32, #tpu.memory_space<vmem>>, %arg11: memref<512xf32, #tpu.memory_space<vmem>>, %arg12: memref<512x128xf32, #tpu.memory_space<vmem>>, %arg13: memref<100352xf32, #tpu.memory_space<vmem_shared>>, %arg14: memref<!tpu.dma_semaphore, #tpu.memory_space<semaphore_mem>>) attributes {dimension_semantics = [#tpu.dimension_semantics<core_parallel>, #tpu.dimension_semantics<subcore_parallel>], iteration_bounds = array<i64: 2, 16>, scalar_prefetch = 0 : i64, scratch_operands = 9 : i64, tpu.core_type = #tpu.core_type<sc_vector_subcore>, window_params = [{transform_indices = #map}, {transform_indices = #map1}, {transform_indices = #map1}, {transform_indices = #map1}]} {
    %mul3A = arith.constant 16 : i32
    %mul3A_0 = arith.muli %arg0, %mul3A : i32
    %add3A = arith.addi %mul3A_0, %arg1 : i32
    %mul3A_1 = arith.constant 512 : i32
    %mul3A_2 = arith.muli %add3A, %mul3A_1 : i32
    %broadcast_in_dim3A = arith.constant 0.000000e+00 : f32
    %broadcast_in_dim3A_3 = vector.broadcast %broadcast_in_dim3A : f32 to vector<16xf32>
    %broadcast_in_dim3A_4 = arith.constant 1.000000e+00 : f32
    %broadcast_in_dim3A_5 = vector.broadcast %broadcast_in_dim3A_4 : f32 to vector<16xf32>
    "tpu.region"() ({
      %run_scoped3A = tpu.sem_alloc : memref<!tpu.dma_semaphore, #tpu.memory_space<semaphore_mem>>
      %dma_start3A_90 = tpu.memref_slice %arg2[%mul3A_2] : memref<16384xi32, #tpu.memory_space<hbm>> -> memref<512xi32, #tpu.memory_space<hbm>>
      %dma_start3A_91 = tpu.memref_slice %arg2[%mul3A_2] : memref<16384xi32, #tpu.memory_space<hbm>> -> memref<512xi32, #tpu.memory_space<hbm>>
      tpu.enqueue_dma source(%dma_start3A_91 : memref<512xi32, #tpu.memory_space<hbm>>) target(%arg9 : memref<512xi32, #tpu.memory_space<vmem>>) target_semaphore(%run_scoped3A : memref<!tpu.dma_semaphore, #tpu.memory_space<semaphore_mem>>)
      %dma_wait3A_92 = tpu.memref_slice %arg2[%mul3A_2] : memref<16384xi32, #tpu.memory_space<hbm>> -> memref<512xi32, #tpu.memory_space<hbm>>
      %dma_wait3A_93 = tpu.memref_slice %arg2[%mul3A_2] : memref<16384xi32, #tpu.memory_space<hbm>> -> memref<512xi32, #tpu.memory_space<hbm>>
      tpu.wait_dma2 semaphore(%run_scoped3A : memref<!tpu.dma_semaphore, #tpu.memory_space<semaphore_mem>>) src(%dma_wait3A_93 : memref<512xi32, #tpu.memory_space<hbm>>) dst(%arg9 : memref<512xi32, #tpu.memory_space<vmem>>)
      tpu.yield
    }) : () -> ()
    %dma_start3A = arith.constant 0 : i32
    %dma_start3A_6 = arith.constant 0 : i32
    %dma_start3A_7 = tpu.memref_slice %arg12[%dma_start3A, %dma_start3A_6] : memref<512x128xf32, #tpu.memory_space<vmem>> -> memref<128x128xf32, #tpu.memory_space<vmem>>
    %dma_start3A_8 = arith.constant 0 : i32
    %dma_start3A_9 = tpu.memref_slice %arg9[%dma_start3A_8] : memref<512xi32, #tpu.memory_space<vmem>> -> memref<128xi32, #tpu.memory_space<vmem>>
    %dma_start3A_10 = arith.constant 0 : i32
    %dma_start3A_11 = arith.constant 0 : i32
    %dma_start3A_12 = tpu.memref_slice %arg3[%dma_start3A_10, %dma_start3A_11] : memref<100000x128xf32, #tpu.memory_space<hbm>> -> memref<100000x128xf32, #tpu.memory_space<hbm>>
    tpu.enqueue_indirect_dma source(%dma_start3A_12 : memref<100000x128xf32, #tpu.memory_space<hbm>>) target(%dma_start3A_7 : memref<128x128xf32, #tpu.memory_space<vmem>>) offsets(%dma_start3A_9 : memref<128xi32, #tpu.memory_space<vmem>>) semaphore(%arg14 : memref<!tpu.dma_semaphore, #tpu.memory_space<semaphore_mem>>)
    %dma_start3A_13 = arith.constant 128 : i32
    %dma_start3A_14 = arith.constant 0 : i32
    %dma_start3A_15 = tpu.memref_slice %arg12[%dma_start3A_13, %dma_start3A_14] : memref<512x128xf32, #tpu.memory_space<vmem>> -> memref<128x128xf32, #tpu.memory_space<vmem>>
    %dma_start3A_16 = arith.constant 128 : i32
    %dma_start3A_17 = tpu.memref_slice %arg9[%dma_start3A_16] : memref<512xi32, #tpu.memory_space<vmem>> -> memref<128xi32, #tpu.memory_space<vmem>>
    %dma_start3A_18 = arith.constant 0 : i32
    %dma_start3A_19 = arith.constant 0 : i32
    %dma_start3A_20 = tpu.memref_slice %arg3[%dma_start3A_18, %dma_start3A_19] : memref<100000x128xf32, #tpu.memory_space<hbm>> -> memref<100000x128xf32, #tpu.memory_space<hbm>>
    tpu.enqueue_indirect_dma source(%dma_start3A_20 : memref<100000x128xf32, #tpu.memory_space<hbm>>) target(%dma_start3A_15 : memref<128x128xf32, #tpu.memory_space<vmem>>) offsets(%dma_start3A_17 : memref<128xi32, #tpu.memory_space<vmem>>) semaphore(%arg14 : memref<!tpu.dma_semaphore, #tpu.memory_space<semaphore_mem>>)
    %dma_start3A_21 = arith.constant 256 : i32
    %dma_start3A_22 = arith.constant 0 : i32
    %dma_start3A_23 = tpu.memref_slice %arg12[%dma_start3A_21, %dma_start3A_22] : memref<512x128xf32, #tpu.memory_space<vmem>> -> memref<128x128xf32, #tpu.memory_space<vmem>>
    %dma_start3A_24 = arith.constant 256 : i32
    %dma_start3A_25 = tpu.memref_slice %arg9[%dma_start3A_24] : memref<512xi32, #tpu.memory_space<vmem>> -> memref<128xi32, #tpu.memory_space<vmem>>
    %dma_start3A_26 = arith.constant 0 : i32
    %dma_start3A_27 = arith.constant 0 : i32
    %dma_start3A_28 = tpu.memref_slice %arg3[%dma_start3A_26, %dma_start3A_27] : memref<100000x128xf32, #tpu.memory_space<hbm>> -> memref<100000x128xf32, #tpu.memory_space<hbm>>
    tpu.enqueue_indirect_dma source(%dma_start3A_28 : memref<100000x128xf32, #tpu.memory_space<hbm>>) target(%dma_start3A_23 : memref<128x128xf32, #tpu.memory_space<vmem>>) offsets(%dma_start3A_25 : memref<128xi32, #tpu.memory_space<vmem>>) semaphore(%arg14 : memref<!tpu.dma_semaphore, #tpu.memory_space<semaphore_mem>>)
    %dma_start3A_29 = arith.constant 384 : i32
    %dma_start3A_30 = arith.constant 0 : i32
    %dma_start3A_31 = tpu.memref_slice %arg12[%dma_start3A_29, %dma_start3A_30] : memref<512x128xf32, #tpu.memory_space<vmem>> -> memref<128x128xf32, #tpu.memory_space<vmem>>
    %dma_start3A_32 = arith.constant 384 : i32
    %dma_start3A_33 = tpu.memref_slice %arg9[%dma_start3A_32] : memref<512xi32, #tpu.memory_space<vmem>> -> memref<128xi32, #tpu.memory_space<vmem>>
    %dma_start3A_34 = arith.constant 0 : i32
    %dma_start3A_35 = arith.constant 0 : i32
    %dma_start3A_36 = tpu.memref_slice %arg3[%dma_start3A_34, %dma_start3A_35] : memref<100000x128xf32, #tpu.memory_space<hbm>> -> memref<100000x128xf32, #tpu.memory_space<hbm>>
    tpu.enqueue_indirect_dma source(%dma_start3A_36 : memref<100000x128xf32, #tpu.memory_space<hbm>>) target(%dma_start3A_31 : memref<128x128xf32, #tpu.memory_space<vmem>>) offsets(%dma_start3A_33 : memref<128xi32, #tpu.memory_space<vmem>>) semaphore(%arg14 : memref<!tpu.dma_semaphore, #tpu.memory_space<semaphore_mem>>)
    "tpu.trace_start"() <{level = 10 : i32, message = "fills"}> : () -> ()
    %scan3A = arith.constant 0 : i32
    %scan3A_37 = arith.constant 0 : i32
    %scan3A_38 = arith.constant 392 : i32
    %scan3A_39 = arith.addi %scan3A_37, %scan3A_38 : i32
    %scan3A_40 = arith.constant 8 : i32
    scf.for %scan3A_90 = %scan3A_37 to %scan3A_39 step %scan3A_40  : i32 {
      %mul3A_91 = arith.constant 16 : i32
      %mul3A_92 = arith.muli %scan3A_90, %mul3A_91 : i32
      %swap3A = arith.index_cast %mul3A_92 : i32 to index
      %swap3A_93 = tpu.vector_load %arg6[%swap3A] {strides = array<i32>} : memref<6272xf32, #tpu.memory_space<vmem>>, vector<16xf32>,
      %swap3A_94 = vector.shape_cast %swap3A_93 : vector<16xf32> to vector<16xf32>
      %swap3A_95 = vector.shape_cast %broadcast_in_dim3A_3 : vector<16xf32> to vector<16xf32>
      tpu.vector_store %arg6[%swap3A], %swap3A_95 {strides = array<i32>} : memref<6272xf32, #tpu.memory_space<vmem>>, vector<16xf32>,
      %scan3A_96 = arith.constant 1 : i32
      %scan3A_97 = arith.addi %scan3A_90, %scan3A_96 : i32
      %mul3A_98 = arith.constant 16 : i32
      %mul3A_99 = arith.muli %scan3A_97, %mul3A_98 : i32
      %swap3A_100 = arith.index_cast %mul3A_99 : i32 to index
      %swap3A_101 = tpu.vector_load %arg6[%swap3A_100] {strides = array<i32>} : memref<6272xf32, #tpu.memory_space<vmem>>, vector<16xf32>,
      %swap3A_102 = vector.shape_cast %swap3A_101 : vector<16xf32> to vector<16xf32>
      %swap3A_103 = vector.shape_cast %broadcast_in_dim3A_3 : vector<16xf32> to vector<16xf32>
      tpu.vector_store %arg6[%swap3A_100], %swap3A_103 {strides = array<i32>} : memref<6272xf32, #tpu.memory_space<vmem>>, vector<16xf32>,
      %scan3A_104 = arith.constant 2 : i32
      %scan3A_105 = arith.addi %scan3A_90, %scan3A_104 : i32
      %mul3A_106 = arith.constant 16 : i32
      %mul3A_107 = arith.muli %scan3A_105, %mul3A_106 : i32
      %swap3A_108 = arith.index_cast %mul3A_107 : i32 to index
      %swap3A_109 = tpu.vector_load %arg6[%swap3A_108] {strides = array<i32>} : memref<6272xf32, #tpu.memory_space<vmem>>, vector<16xf32>,
      %swap3A_110 = vector.shape_cast %swap3A_109 : vector<16xf32> to vector<16xf32>
      %swap3A_111 = vector.shape_cast %broadcast_in_dim3A_3 : vector<16xf32> to vector<16xf32>
      tpu.vector_store %arg6[%swap3A_108], %swap3A_111 {strides = array<i32>} : memref<6272xf32, #tpu.memory_space<vmem>>, vector<16xf32>,
      %scan3A_112 = arith.constant 3 : i32
      %scan3A_113 = arith.addi %scan3A_90, %scan3A_112 : i32
      %mul3A_114 = arith.constant 16 : i32
      %mul3A_115 = arith.muli %scan3A_113, %mul3A_114 : i32
      %swap3A_116 = arith.index_cast %mul3A_115 : i32 to index
      %swap3A_117 = tpu.vector_load %arg6[%swap3A_116] {strides = array<i32>} : memref<6272xf32, #tpu.memory_space<vmem>>, vector<16xf32>,
      %swap3A_118 = vector.shape_cast %swap3A_117 : vector<16xf32> to vector<16xf32>
      %swap3A_119 = vector.shape_cast %broadcast_in_dim3A_3 : vector<16xf32> to vector<16xf32>
      tpu.vector_store %arg6[%swap3A_116], %swap3A_119 {strides = array<i32>} : memref<6272xf32, #tpu.memory_space<vmem>>, vector<16xf32>,
      %scan3A_120 = arith.constant 4 : i32
      %scan3A_121 = arith.addi %scan3A_90, %scan3A_120 : i32
      %mul3A_122 = arith.constant 16 : i32
      %mul3A_123 = arith.muli %scan3A_121, %mul3A_122 : i32
      %swap3A_124 = arith.index_cast %mul3A_123 : i32 to index
      %swap3A_125 = tpu.vector_load %arg6[%swap3A_124] {strides = array<i32>} : memref<6272xf32, #tpu.memory_space<vmem>>, vector<16xf32>,
      %swap3A_126 = vector.shape_cast %swap3A_125 : vector<16xf32> to vector<16xf32>
      %swap3A_127 = vector.shape_cast %broadcast_in_dim3A_3 : vector<16xf32> to vector<16xf32>
      tpu.vector_store %arg6[%swap3A_124], %swap3A_127 {strides = array<i32>} : memref<6272xf32, #tpu.memory_space<vmem>>, vector<16xf32>,
      %scan3A_128 = arith.constant 5 : i32
      %scan3A_129 = arith.addi %scan3A_90, %scan3A_128 : i32
      %mul3A_130 = arith.constant 16 : i32
      %mul3A_131 = arith.muli %scan3A_129, %mul3A_130 : i32
      %swap3A_132 = arith.index_cast %mul3A_131 : i32 to index
      %swap3A_133 = tpu.vector_load %arg6[%swap3A_132] {strides = array<i32>} : memref<6272xf32, #tpu.memory_space<vmem>>, vector<16xf32>,
      %swap3A_134 = vector.shape_cast %swap3A_133 : vector<16xf32> to vector<16xf32>
      %swap3A_135 = vector.shape_cast %broadcast_in_dim3A_3 : vector<16xf32> to vector<16xf32>
      tpu.vector_store %arg6[%swap3A_132], %swap3A_135 {strides = array<i32>} : memref<6272xf32, #tpu.memory_space<vmem>>, vector<16xf32>,
      %scan3A_136 = arith.constant 6 : i32
      %scan3A_137 = arith.addi %scan3A_90, %scan3A_136 : i32
      %mul3A_138 = arith.constant 16 : i32
      %mul3A_139 = arith.muli %scan3A_137, %mul3A_138 : i32
      %swap3A_140 = arith.index_cast %mul3A_139 : i32 to index
      %swap3A_141 = tpu.vector_load %arg6[%swap3A_140] {strides = array<i32>} : memref<6272xf32, #tpu.memory_space<vmem>>, vector<16xf32>,
      %swap3A_142 = vector.shape_cast %swap3A_141 : vector<16xf32> to vector<16xf32>
      %swap3A_143 = vector.shape_cast %broadcast_in_dim3A_3 : vector<16xf32> to vector<16xf32>
      tpu.vector_store %arg6[%swap3A_140], %swap3A_143 {strides = array<i32>} : memref<6272xf32, #tpu.memory_space<vmem>>, vector<16xf32>,
      %scan3A_144 = arith.constant 7 : i32
      %scan3A_145 = arith.addi %scan3A_90, %scan3A_144 : i32
      %mul3A_146 = arith.constant 16 : i32
      %mul3A_147 = arith.muli %scan3A_145, %mul3A_146 : i32
      %swap3A_148 = arith.index_cast %mul3A_147 : i32 to index
      %swap3A_149 = tpu.vector_load %arg6[%swap3A_148] {strides = array<i32>} : memref<6272xf32, #tpu.memory_space<vmem>>, vector<16xf32>,
      %swap3A_150 = vector.shape_cast %swap3A_149 : vector<16xf32> to vector<16xf32>
      %swap3A_151 = vector.shape_cast %broadcast_in_dim3A_3 : vector<16xf32> to vector<16xf32>
      tpu.vector_store %arg6[%swap3A_148], %swap3A_151 {strides = array<i32>} : memref<6272xf32, #tpu.memory_space<vmem>>, vector<16xf32>,
    }
    %scan3A_41 = arith.constant 392 : i32
    %scan3A_42 = arith.constant 0 : i32
    %scan3A_43 = arith.constant 0 : i32
    %scan3A_44 = arith.constant 64 : i32
    %scan3A_45 = arith.addi %scan3A_43, %scan3A_44 : i32
    %scan3A_46 = arith.constant 8 : i32
    scf.for %scan3A_90 = %scan3A_43 to %scan3A_45 step %scan3A_46  : i32 {
      %mul3A_91 = arith.constant 16 : i32
      %mul3A_92 = arith.muli %scan3A_90, %mul3A_91 : i32
      %swap3A = arith.index_cast %mul3A_92 : i32 to index
      %swap3A_93 = tpu.vector_load %arg7[%swap3A] {strides = array<i32>} : memref<1024xf32, #tpu.memory_space<vmem>>, vector<16xf32>,
      %swap3A_94 = vector.shape_cast %swap3A_93 : vector<16xf32> to vector<16xf32>
      %swap3A_95 = vector.shape_cast %broadcast_in_dim3A_5 : vector<16xf32> to vector<16xf32>
      tpu.vector_store %arg7[%swap3A], %swap3A_95 {strides = array<i32>} : memref<1024xf32, #tpu.memory_space<vmem>>, vector<16xf32>,
      %scan3A_96 = arith.constant 1 : i32
      %scan3A_97 = arith.addi %scan3A_90, %scan3A_96 : i32
      %mul3A_98 = arith.constant 16 : i32
      %mul3A_99 = arith.muli %scan3A_97, %mul3A_98 : i32
      %swap3A_100 = arith.index_cast %mul3A_99 : i32 to index
      %swap3A_101 = tpu.vector_load %arg7[%swap3A_100] {strides = array<i32>} : memref<1024xf32, #tpu.memory_space<vmem>>, vector<16xf32>,
      %swap3A_102 = vector.shape_cast %swap3A_101 : vector<16xf32> to vector<16xf32>
      %swap3A_103 = vector.shape_cast %broadcast_in_dim3A_5 : vector<16xf32> to vector<16xf32>
      tpu.vector_store %arg7[%swap3A_100], %swap3A_103 {strides = array<i32>} : memref<1024xf32, #tpu.memory_space<vmem>>, vector<16xf32>,
      %scan3A_104 = arith.constant 2 : i32
      %scan3A_105 = arith.addi %scan3A_90, %scan3A_104 : i32
      %mul3A_106 = arith.constant 16 : i32
      %mul3A_107 = arith.muli %scan3A_105, %mul3A_106 : i32
      %swap3A_108 = arith.index_cast %mul3A_107 : i32 to index
      %swap3A_109 = tpu.vector_load %arg7[%swap3A_108] {strides = array<i32>} : memref<1024xf32, #tpu.memory_space<vmem>>, vector<16xf32>,
      %swap3A_110 = vector.shape_cast %swap3A_109 : vector<16xf32> to vector<16xf32>
      %swap3A_111 = vector.shape_cast %broadcast_in_dim3A_5 : vector<16xf32> to vector<16xf32>
      tpu.vector_store %arg7[%swap3A_108], %swap3A_111 {strides = array<i32>} : memref<1024xf32, #tpu.memory_space<vmem>>, vector<16xf32>,
      %scan3A_112 = arith.constant 3 : i32
      %scan3A_113 = arith.addi %scan3A_90, %scan3A_112 : i32
      %mul3A_114 = arith.constant 16 : i32
      %mul3A_115 = arith.muli %scan3A_113, %mul3A_114 : i32
      %swap3A_116 = arith.index_cast %mul3A_115 : i32 to index
      %swap3A_117 = tpu.vector_load %arg7[%swap3A_116] {strides = array<i32>} : memref<1024xf32, #tpu.memory_space<vmem>>, vector<16xf32>,
      %swap3A_118 = vector.shape_cast %swap3A_117 : vector<16xf32> to vector<16xf32>
      %swap3A_119 = vector.shape_cast %broadcast_in_dim3A_5 : vector<16xf32> to vector<16xf32>
      tpu.vector_store %arg7[%swap3A_116], %swap3A_119 {strides = array<i32>} : memref<1024xf32, #tpu.memory_space<vmem>>, vector<16xf32>,
      %scan3A_120 = arith.constant 4 : i32
      %scan3A_121 = arith.addi %scan3A_90, %scan3A_120 : i32
      %mul3A_122 = arith.constant 16 : i32
      %mul3A_123 = arith.muli %scan3A_121, %mul3A_122 : i32
      %swap3A_124 = arith.index_cast %mul3A_123 : i32 to index
      %swap3A_125 = tpu.vector_load %arg7[%swap3A_124] {strides = array<i32>} : memref<1024xf32, #tpu.memory_space<vmem>>, vector<16xf32>,
      %swap3A_126 = vector.shape_cast %swap3A_125 : vector<16xf32> to vector<16xf32>
      %swap3A_127 = vector.shape_cast %broadcast_in_dim3A_5 : vector<16xf32> to vector<16xf32>
      tpu.vector_store %arg7[%swap3A_124], %swap3A_127 {strides = array<i32>} : memref<1024xf32, #tpu.memory_space<vmem>>, vector<16xf32>,
      %scan3A_128 = arith.constant 5 : i32
      %scan3A_129 = arith.addi %scan3A_90, %scan3A_128 : i32
      %mul3A_130 = arith.constant 16 : i32
      %mul3A_131 = arith.muli %scan3A_129, %mul3A_130 : i32
      %swap3A_132 = arith.index_cast %mul3A_131 : i32 to index
      %swap3A_133 = tpu.vector_load %arg7[%swap3A_132] {strides = array<i32>} : memref<1024xf32, #tpu.memory_space<vmem>>, vector<16xf32>,
      %swap3A_134 = vector.shape_cast %swap3A_133 : vector<16xf32> to vector<16xf32>
      %swap3A_135 = vector.shape_cast %broadcast_in_dim3A_5 : vector<16xf32> to vector<16xf32>
      tpu.vector_store %arg7[%swap3A_132], %swap3A_135 {strides = array<i32>} : memref<1024xf32, #tpu.memory_space<vmem>>, vector<16xf32>,
      %scan3A_136 = arith.constant 6 : i32
      %scan3A_137 = arith.addi %scan3A_90, %scan3A_136 : i32
      %mul3A_138 = arith.constant 16 : i32
      %mul3A_139 = arith.muli %scan3A_137, %mul3A_138 : i32
      %swap3A_140 = arith.index_cast %mul3A_139 : i32 to index
      %swap3A_141 = tpu.vector_load %arg7[%swap3A_140] {strides = array<i32>} : memref<1024xf32, #tpu.memory_space<vmem>>, vector<16xf32>,
      %swap3A_142 = vector.shape_cast %swap3A_141 : vector<16xf32> to vector<16xf32>
      %swap3A_143 = vector.shape_cast %broadcast_in_dim3A_5 : vector<16xf32> to vector<16xf32>
      tpu.vector_store %arg7[%swap3A_140], %swap3A_143 {strides = array<i32>} : memref<1024xf32, #tpu.memory_space<vmem>>, vector<16xf32>,
      %scan3A_144 = arith.constant 7 : i32
      %scan3A_145 = arith.addi %scan3A_90, %scan3A_144 : i32
      %mul3A_146 = arith.constant 16 : i32
      %mul3A_147 = arith.muli %scan3A_145, %mul3A_146 : i32
      %swap3A_148 = arith.index_cast %mul3A_147 : i32 to index
      %swap3A_149 = tpu.vector_load %arg7[%swap3A_148] {strides = array<i32>} : memref<1024xf32, #tpu.memory_space<vmem>>, vector<16xf32>,
      %swap3A_150 = vector.shape_cast %swap3A_149 : vector<16xf32> to vector<16xf32>
      %swap3A_151 = vector.shape_cast %broadcast_in_dim3A_5 : vector<16xf32> to vector<16xf32>
      tpu.vector_store %arg7[%swap3A_148], %swap3A_151 {strides = array<i32>} : memref<1024xf32, #tpu.memory_space<vmem>>, vector<16xf32>,
    }
    %scan3A_47 = arith.constant 64 : i32
    "tpu.trace_stop"() : () -> ()
    "tpu.trace_start"() <{level = 10 : i32, message = "hist"}> : () -> ()
    %mul3A_48 = arith.constant 6272 : i32
    %mul3A_49 = arith.muli %arg1, %mul3A_48 : i32
    "tpu.region"() ({
      %run_scoped3A = tpu.sem_alloc : memref<!tpu.dma_semaphore, #tpu.memory_space<semaphore_mem>>
      %dma_start3A_90 = tpu.memref_slice %arg13[%mul3A_49] : memref<100352xf32, #tpu.memory_space<vmem_shared>> -> memref<6272xf32, #tpu.memory_space<vmem_shared>>
      %dma_start3A_91 = tpu.memref_slice %arg13[%mul3A_49] : memref<100352xf32, #tpu.memory_space<vmem_shared>> -> memref<6272xf32, #tpu.memory_space<vmem_shared>>
      tpu.enqueue_dma source(%arg6 : memref<6272xf32, #tpu.memory_space<vmem>>) target(%dma_start3A_91 : memref<6272xf32, #tpu.memory_space<vmem_shared>>) target_semaphore(%run_scoped3A : memref<!tpu.dma_semaphore, #tpu.memory_space<semaphore_mem>>)
      %dma_wait3A_92 = tpu.memref_slice %arg13[%mul3A_49] : memref<100352xf32, #tpu.memory_space<vmem_shared>> -> memref<6272xf32, #tpu.memory_space<vmem_shared>>
      %dma_wait3A_93 = tpu.memref_slice %arg13[%mul3A_49] : memref<100352xf32, #tpu.memory_space<vmem_shared>> -> memref<6272xf32, #tpu.memory_space<vmem_shared>>
      tpu.wait_dma2 semaphore(%run_scoped3A : memref<!tpu.dma_semaphore, #tpu.memory_space<semaphore_mem>>) src(%arg6 : memref<6272xf32, #tpu.memory_space<vmem>>) dst(%dma_wait3A_93 : memref<6272xf32, #tpu.memory_space<vmem_shared>>)
      tpu.yield
    }) : () -> ()
    %mul3A_50 = arith.constant 1024 : i32
    %mul3A_51 = arith.muli %arg1, %mul3A_50 : i32
    "tpu.region"() ({
      %run_scoped3A = tpu.sem_alloc : memref<!tpu.dma_semaphore, #tpu.memory_space<semaphore_mem>>
      %dma_start3A_90 = tpu.memref_slice %arg2[%mul3A_51] : memref<16384xi32, #tpu.memory_space<hbm>> -> memref<1024xi32, #tpu.memory_space<hbm>>
      %dma_start3A_91 = tpu.memref_slice %arg2[%mul3A_51] : memref<16384xi32, #tpu.memory_space<hbm>> -> memref<1024xi32, #tpu.memory_space<hbm>>
      tpu.enqueue_dma source(%dma_start3A_91 : memref<1024xi32, #tpu.memory_space<hbm>>) target(%arg8 : memref<1024xi32, #tpu.memory_space<vmem>>) target_semaphore(%run_scoped3A : memref<!tpu.dma_semaphore, #tpu.memory_space<semaphore_mem>>)
      %dma_wait3A_92 = tpu.memref_slice %arg2[%mul3A_51] : memref<16384xi32, #tpu.memory_space<hbm>> -> memref<1024xi32, #tpu.memory_space<hbm>>
      %dma_wait3A_93 = tpu.memref_slice %arg2[%mul3A_51] : memref<16384xi32, #tpu.memory_space<hbm>> -> memref<1024xi32, #tpu.memory_space<hbm>>
      tpu.wait_dma2 semaphore(%run_scoped3A : memref<!tpu.dma_semaphore, #tpu.memory_space<semaphore_mem>>) src(%dma_wait3A_93 : memref<1024xi32, #tpu.memory_space<hbm>>) dst(%arg8 : memref<1024xi32, #tpu.memory_space<vmem>>)
      tpu.yield
    }) : () -> ()
    %barrier3A = arith.constant 0 : index
    tpu.barrier barrier_id(%barrier3A)
    "tpu.region"() ({
      %run_scoped3A = tpu.sem_alloc : memref<!tpu.dma_semaphore, #tpu.memory_space<semaphore_mem>>
      %dma_start3A_90 = arith.constant 0 : i32
      %dma_start3A_91 = tpu.memref_slice %arg13[%dma_start3A_90] : memref<100352xf32, #tpu.memory_space<vmem_shared>> -> memref<100352xf32, #tpu.memory_space<vmem_shared>>
      tpu.enqueue_indirect_dma source(%arg7 : memref<1024xf32, #tpu.memory_space<vmem>>) target(%dma_start3A_91 : memref<100352xf32, #tpu.memory_space<vmem_shared>>) offsets(%arg8 : memref<1024xi32, #tpu.memory_space<vmem>>) semaphore(%run_scoped3A : memref<!tpu.dma_semaphore, #tpu.memory_space<semaphore_mem>>) {add = true}
      %dma_wait3A_92 = arith.constant 0 : i32
      %dma_wait3A_93 = tpu.memref_slice %arg13[%dma_wait3A_92] : memref<100352xf32, #tpu.memory_space<vmem_shared>> -> memref<100352xf32, #tpu.memory_space<vmem_shared>>
      tpu.wait_indirect_dma semaphore(%run_scoped3A : memref<!tpu.dma_semaphore, #tpu.memory_space<semaphore_mem>>) src(%arg7 : memref<1024xf32, #tpu.memory_space<vmem>>) dst(%dma_wait3A_93 : memref<100352xf32, #tpu.memory_space<vmem_shared>>)
      tpu.yield
    }) : () -> ()
    %barrier3A_52 = arith.constant 0 : index
    tpu.barrier barrier_id(%barrier3A_52)
    "tpu.trace_stop"() : () -> ()
    "tpu.trace_start"() <{level = 10 : i32, message = "counts"}> : () -> ()
    "tpu.region"() ({
      %run_scoped3A = tpu.sem_alloc : memref<!tpu.dma_semaphore, #tpu.memory_space<semaphore_mem>>
      %dma_start3A_90 = arith.constant 0 : i32
      %dma_start3A_91 = tpu.memref_slice %arg13[%dma_start3A_90] : memref<100352xf32, #tpu.memory_space<vmem_shared>> -> memref<100352xf32, #tpu.memory_space<vmem_shared>>
      tpu.enqueue_indirect_dma source(%dma_start3A_91 : memref<100352xf32, #tpu.memory_space<vmem_shared>>) target(%arg10 : memref<512xf32, #tpu.memory_space<vmem>>) offsets(%arg9 : memref<512xi32, #tpu.memory_space<vmem>>) semaphore(%run_scoped3A : memref<!tpu.dma_semaphore, #tpu.memory_space<semaphore_mem>>)
      %dma_wait3A_92 = arith.constant 0 : i32
      %dma_wait3A_93 = tpu.memref_slice %arg13[%dma_wait3A_92] : memref<100352xf32, #tpu.memory_space<vmem_shared>> -> memref<100352xf32, #tpu.memory_space<vmem_shared>>
      tpu.wait_indirect_dma semaphore(%run_scoped3A : memref<!tpu.dma_semaphore, #tpu.memory_space<semaphore_mem>>) src(%dma_wait3A_93 : memref<100352xf32, #tpu.memory_space<vmem_shared>>) dst(%arg10 : memref<512xf32, #tpu.memory_space<vmem>>)
      tpu.yield
    }) : () -> ()
    %scan3A_53 = arith.constant 0 : i32
    %scan3A_54 = arith.constant 0 : i32
    %scan3A_55 = arith.constant 32 : i32
    %scan3A_56 = arith.addi %scan3A_54, %scan3A_55 : i32
    %scan3A_57 = arith.constant 8 : i32
    scf.for %scan3A_90 = %scan3A_54 to %scan3A_56 step %scan3A_57  : i32 {
      %mul3A_91 = arith.constant 16 : i32
      %mul3A_92 = arith.muli %scan3A_90, %mul3A_91 : i32
      %get3A = arith.index_cast %mul3A_92 : i32 to index
      %get3A_93 = tpu.vector_load %arg10[%get3A] {strides = array<i32>} : memref<512xf32, #tpu.memory_space<vmem>>, vector<16xf32>,
      %get3A_94 = vector.shape_cast %get3A_93 : vector<16xf32> to vector<16xf32>
      %add3A_95 = arith.constant 1.000000e+00 : f32
      %add3A_96 = vector.broadcast %add3A_95 : f32 to vector<16xf32>
      %add3A_97 = arith.addf %get3A_94, %add3A_96 : vector<16xf32>
      %div3A = arith.constant 5.000000e-01 : f32
      %div3A_98 = vector.broadcast %div3A : f32 to vector<16xf32>
      %div3A_99 = arith.divf %div3A_98, %add3A_97 : vector<16xf32>
      %mul3A_100 = arith.constant 16 : i32
      %mul3A_101 = arith.muli %scan3A_90, %mul3A_100 : i32
      %swap3A = arith.index_cast %mul3A_101 : i32 to index
      %swap3A_102 = tpu.vector_load %arg11[%swap3A] {strides = array<i32>} : memref<512xf32, #tpu.memory_space<vmem>>, vector<16xf32>,
      %swap3A_103 = vector.shape_cast %swap3A_102 : vector<16xf32> to vector<16xf32>
      %swap3A_104 = vector.shape_cast %div3A_99 : vector<16xf32> to vector<16xf32>
      tpu.vector_store %arg11[%swap3A], %swap3A_104 {strides = array<i32>} : memref<512xf32, #tpu.memory_space<vmem>>, vector<16xf32>,
      %scan3A_105 = arith.constant 1 : i32
      %scan3A_106 = arith.addi %scan3A_90, %scan3A_105 : i32
      %mul3A_107 = arith.constant 16 : i32
      %mul3A_108 = arith.muli %scan3A_106, %mul3A_107 : i32
      %get3A_109 = arith.index_cast %mul3A_108 : i32 to index
      %get3A_110 = tpu.vector_load %arg10[%get3A_109] {strides = array<i32>} : memref<512xf32, #tpu.memory_space<vmem>>, vector<16xf32>,
      %get3A_111 = vector.shape_cast %get3A_110 : vector<16xf32> to vector<16xf32>
      %add3A_112 = arith.constant 1.000000e+00 : f32
      %add3A_113 = vector.broadcast %add3A_112 : f32 to vector<16xf32>
      %add3A_114 = arith.addf %get3A_111, %add3A_113 : vector<16xf32>
      %div3A_115 = arith.constant 5.000000e-01 : f32
      %div3A_116 = vector.broadcast %div3A_115 : f32 to vector<16xf32>
      %div3A_117 = arith.divf %div3A_116, %add3A_114 : vector<16xf32>
      %mul3A_118 = arith.constant 16 : i32
      %mul3A_119 = arith.muli %scan3A_106, %mul3A_118 : i32
      %swap3A_120 = arith.index_cast %mul3A_119 : i32 to index
      %swap3A_121 = tpu.vector_load %arg11[%swap3A_120] {strides = array<i32>} : memref<512xf32, #tpu.memory_space<vmem>>, vector<16xf32>,
      %swap3A_122 = vector.shape_cast %swap3A_121 : vector<16xf32> to vector<16xf32>
      %swap3A_123 = vector.shape_cast %div3A_117 : vector<16xf32> to vector<16xf32>
      tpu.vector_store %arg11[%swap3A_120], %swap3A_123 {strides = array<i32>} : memref<512xf32, #tpu.memory_space<vmem>>, vector<16xf32>,
      %scan3A_124 = arith.constant 2 : i32
      %scan3A_125 = arith.addi %scan3A_90, %scan3A_124 : i32
      %mul3A_126 = arith.constant 16 : i32
      %mul3A_127 = arith.muli %scan3A_125, %mul3A_126 : i32
      %get3A_128 = arith.index_cast %mul3A_127 : i32 to index
      %get3A_129 = tpu.vector_load %arg10[%get3A_128] {strides = array<i32>} : memref<512xf32, #tpu.memory_space<vmem>>, vector<16xf32>,
      %get3A_130 = vector.shape_cast %get3A_129 : vector<16xf32> to vector<16xf32>
      %add3A_131 = arith.constant 1.000000e+00 : f32
      %add3A_132 = vector.broadcast %add3A_131 : f32 to vector<16xf32>
      %add3A_133 = arith.addf %get3A_130, %add3A_132 : vector<16xf32>
      %div3A_134 = arith.constant 5.000000e-01 : f32
      %div3A_135 = vector.broadcast %div3A_134 : f32 to vector<16xf32>
      %div3A_136 = arith.divf %div3A_135, %add3A_133 : vector<16xf32>
      %mul3A_137 = arith.constant 16 : i32
      %mul3A_138 = arith.muli %scan3A_125, %mul3A_137 : i32
      %swap3A_139 = arith.index_cast %mul3A_138 : i32 to index
      %swap3A_140 = tpu.vector_load %arg11[%swap3A_139] {strides = array<i32>} : memref<512xf32, #tpu.memory_space<vmem>>, vector<16xf32>,
      %swap3A_141 = vector.shape_cast %swap3A_140 : vector<16xf32> to vector<16xf32>
      %swap3A_142 = vector.shape_cast %div3A_136 : vector<16xf32> to vector<16xf32>
      tpu.vector_store %arg11[%swap3A_139], %swap3A_142 {strides = array<i32>} : memref<512xf32, #tpu.memory_space<vmem>>, vector<16xf32>,
      %scan3A_143 = arith.constant 3 : i32
      %scan3A_144 = arith.addi %scan3A_90, %scan3A_143 : i32
      %mul3A_145 = arith.constant 16 : i32
      %mul3A_146 = arith.muli %scan3A_144, %mul3A_145 : i32
      %get3A_147 = arith.index_cast %mul3A_146 : i32 to index
      %get3A_148 = tpu.vector_load %arg10[%get3A_147] {strides = array<i32>} : memref<512xf32, #tpu.memory_space<vmem>>, vector<16xf32>,
      %get3A_149 = vector.shape_cast %get3A_148 : vector<16xf32> to vector<16xf32>
      %add3A_150 = arith.constant 1.000000e+00 : f32
      %add3A_151 = vector.broadcast %add3A_150 : f32 to vector<16xf32>
      %add3A_152 = arith.addf %get3A_149, %add3A_151 : vector<16xf32>
      %div3A_153 = arith.constant 5.000000e-01 : f32
      %div3A_154 = vector.broadcast %div3A_153 : f32 to vector<16xf32>
      %div3A_155 = arith.divf %div3A_154, %add3A_152 : vector<16xf32>
      %mul3A_156 = arith.constant 16 : i32
      %mul3A_157 = arith.muli %scan3A_144, %mul3A_156 : i32
      %swap3A_158 = arith.index_cast %mul3A_157 : i32 to index
      %swap3A_159 = tpu.vector_load %arg11[%swap3A_158] {strides = array<i32>} : memref<512xf32, #tpu.memory_space<vmem>>, vector<16xf32>,
      %swap3A_160 = vector.shape_cast %swap3A_159 : vector<16xf32> to vector<16xf32>
      %swap3A_161 = vector.shape_cast %div3A_155 : vector<16xf32> to vector<16xf32>
      tpu.vector_store %arg11[%swap3A_158], %swap3A_161 {strides = array<i32>} : memref<512xf32, #tpu.memory_space<vmem>>, vector<16xf32>,
      %scan3A_162 = arith.constant 4 : i32
      %scan3A_163 = arith.addi %scan3A_90, %scan3A_162 : i32
      %mul3A_164 = arith.constant 16 : i32
      %mul3A_165 = arith.muli %scan3A_163, %mul3A_164 : i32
      %get3A_166 = arith.index_cast %mul3A_165 : i32 to index
      %get3A_167 = tpu.vector_load %arg10[%get3A_166] {strides = array<i32>} : memref<512xf32, #tpu.memory_space<vmem>>, vector<16xf32>,
      %get3A_168 = vector.shape_cast %get3A_167 : vector<16xf32> to vector<16xf32>
      %add3A_169 = arith.constant 1.000000e+00 : f32
      %add3A_170 = vector.broadcast %add3A_169 : f32 to vector<16xf32>
      %add3A_171 = arith.addf %get3A_168, %add3A_170 : vector<16xf32>
      %div3A_172 = arith.constant 5.000000e-01 : f32
      %div3A_173 = vector.broadcast %div3A_172 : f32 to vector<16xf32>
      %div3A_174 = arith.divf %div3A_173, %add3A_171 : vector<16xf32>
      %mul3A_175 = arith.constant 16 : i32
      %mul3A_176 = arith.muli %scan3A_163, %mul3A_175 : i32
      %swap3A_177 = arith.index_cast %mul3A_176 : i32 to index
      %swap3A_178 = tpu.vector_load %arg11[%swap3A_177] {strides = array<i32>} : memref<512xf32, #tpu.memory_space<vmem>>, vector<16xf32>,
      %swap3A_179 = vector.shape_cast %swap3A_178 : vector<16xf32> to vector<16xf32>
      %swap3A_180 = vector.shape_cast %div3A_174 : vector<16xf32> to vector<16xf32>
      tpu.vector_store %arg11[%swap3A_177], %swap3A_180 {strides = array<i32>} : memref<512xf32, #tpu.memory_space<vmem>>, vector<16xf32>,
      %scan3A_181 = arith.constant 5 : i32
      %scan3A_182 = arith.addi %scan3A_90, %scan3A_181 : i32
      %mul3A_183 = arith.constant 16 : i32
      %mul3A_184 = arith.muli %scan3A_182, %mul3A_183 : i32
      %get3A_185 = arith.index_cast %mul3A_184 : i32 to index
      %get3A_186 = tpu.vector_load %arg10[%get3A_185] {strides = array<i32>} : memref<512xf32, #tpu.memory_space<vmem>>, vector<16xf32>,
      %get3A_187 = vector.shape_cast %get3A_186 : vector<16xf32> to vector<16xf32>
      %add3A_188 = arith.constant 1.000000e+00 : f32
      %add3A_189 = vector.broadcast %add3A_188 : f32 to vector<16xf32>
      %add3A_190 = arith.addf %get3A_187, %add3A_189 : vector<16xf32>
      %div3A_191 = arith.constant 5.000000e-01 : f32
      %div3A_192 = vector.broadcast %div3A_191 : f32 to vector<16xf32>
      %div3A_193 = arith.divf %div3A_192, %add3A_190 : vector<16xf32>
      %mul3A_194 = arith.constant 16 : i32
      %mul3A_195 = arith.muli %scan3A_182, %mul3A_194 : i32
      %swap3A_196 = arith.index_cast %mul3A_195 : i32 to index
      %swap3A_197 = tpu.vector_load %arg11[%swap3A_196] {strides = array<i32>} : memref<512xf32, #tpu.memory_space<vmem>>, vector<16xf32>,
      %swap3A_198 = vector.shape_cast %swap3A_197 : vector<16xf32> to vector<16xf32>
      %swap3A_199 = vector.shape_cast %div3A_193 : vector<16xf32> to vector<16xf32>
      tpu.vector_store %arg11[%swap3A_196], %swap3A_199 {strides = array<i32>} : memref<512xf32, #tpu.memory_space<vmem>>, vector<16xf32>,
      %scan3A_200 = arith.constant 6 : i32
      %scan3A_201 = arith.addi %scan3A_90, %scan3A_200 : i32
      %mul3A_202 = arith.constant 16 : i32
      %mul3A_203 = arith.muli %scan3A_201, %mul3A_202 : i32
      %get3A_204 = arith.index_cast %mul3A_203 : i32 to index
      %get3A_205 = tpu.vector_load %arg10[%get3A_204] {strides = array<i32>} : memref<512xf32, #tpu.memory_space<vmem>>, vector<16xf32>,
      %get3A_206 = vector.shape_cast %get3A_205 : vector<16xf32> to vector<16xf32>
      %add3A_207 = arith.constant 1.000000e+00 : f32
      %add3A_208 = vector.broadcast %add3A_207 : f32 to vector<16xf32>
      %add3A_209 = arith.addf %get3A_206, %add3A_208 : vector<16xf32>
      %div3A_210 = arith.constant 5.000000e-01 : f32
      %div3A_211 = vector.broadcast %div3A_210 : f32 to vector<16xf32>
      %div3A_212 = arith.divf %div3A_211, %add3A_209 : vector<16xf32>
      %mul3A_213 = arith.constant 16 : i32
      %mul3A_214 = arith.muli %scan3A_201, %mul3A_213 : i32
      %swap3A_215 = arith.index_cast %mul3A_214 : i32 to index
      %swap3A_216 = tpu.vector_load %arg11[%swap3A_215] {strides = array<i32>} : memref<512xf32, #tpu.memory_space<vmem>>, vector<16xf32>,
      %swap3A_217 = vector.shape_cast %swap3A_216 : vector<16xf32> to vector<16xf32>
      %swap3A_218 = vector.shape_cast %div3A_212 : vector<16xf32> to vector<16xf32>
      tpu.vector_store %arg11[%swap3A_215], %swap3A_218 {strides = array<i32>} : memref<512xf32, #tpu.memory_space<vmem>>, vector<16xf32>,
      %scan3A_219 = arith.constant 7 : i32
      %scan3A_220 = arith.addi %scan3A_90, %scan3A_219 : i32
      %mul3A_221 = arith.constant 16 : i32
      %mul3A_222 = arith.muli %scan3A_220, %mul3A_221 : i32
      %get3A_223 = arith.index_cast %mul3A_222 : i32 to index
      %get3A_224 = tpu.vector_load %arg10[%get3A_223] {strides = array<i32>} : memref<512xf32, #tpu.memory_space<vmem>>, vector<16xf32>,
      %get3A_225 = vector.shape_cast %get3A_224 : vector<16xf32> to vector<16xf32>
      %add3A_226 = arith.constant 1.000000e+00 : f32
      %add3A_227 = vector.broadcast %add3A_226 : f32 to vector<16xf32>
      %add3A_228 = arith.addf %get3A_225, %add3A_227 : vector<16xf32>
      %div3A_229 = arith.constant 5.000000e-01 : f32
      %div3A_230 = vector.broadcast %div3A_229 : f32 to vector<16xf32>
      %div3A_231 = arith.divf %div3A_230, %add3A_228 : vector<16xf32>
      %mul3A_232 = arith.constant 16 : i32
      %mul3A_233 = arith.muli %scan3A_220, %mul3A_232 : i32
      %swap3A_234 = arith.index_cast %mul3A_233 : i32 to index
      %swap3A_235 = tpu.vector_load %arg11[%swap3A_234] {strides = array<i32>} : memref<512xf32, #tpu.memory_space<vmem>>, vector<16xf32>,
      %swap3A_236 = vector.shape_cast %swap3A_235 : vector<16xf32> to vector<16xf32>
      %swap3A_237 = vector.shape_cast %div3A_231 : vector<16xf32> to vector<16xf32>
      tpu.vector_store %arg11[%swap3A_234], %swap3A_237 {strides = array<i32>} : memref<512xf32, #tpu.memory_space<vmem>>, vector<16xf32>,
    }
    %scan3A_58 = arith.constant 32 : i32
    "tpu.region"() ({
      %run_scoped3A = tpu.sem_alloc : memref<!tpu.dma_semaphore, #tpu.memory_space<semaphore_mem>>
      %dma_start3A_90 = arith.constant 0 : i32
      %dma_start3A_91 = tpu.memref_slice %arg5[%add3A, %dma_start3A_90] : memref<32x512xf32, #tpu.memory_space<hbm>> -> memref<1x512xf32, #tpu.memory_space<hbm>>
      %dma_start3A_92 = tpu.memref_squeeze %dma_start3A_91 : memref<1x512xf32, #tpu.memory_space<hbm>> -> memref<512xf32, #tpu.memory_space<hbm>>
      %dma_start3A_93 = arith.constant 0 : i32
      %dma_start3A_94 = tpu.memref_slice %arg5[%add3A, %dma_start3A_93] : memref<32x512xf32, #tpu.memory_space<hbm>> -> memref<1x512xf32, #tpu.memory_space<hbm>>
      %dma_start3A_95 = tpu.memref_squeeze %dma_start3A_94 : memref<1x512xf32, #tpu.memory_space<hbm>> -> memref<512xf32, #tpu.memory_space<hbm>>
      tpu.enqueue_dma source(%arg11 : memref<512xf32, #tpu.memory_space<vmem>>) target(%dma_start3A_95 : memref<512xf32, #tpu.memory_space<hbm>>) target_semaphore(%run_scoped3A : memref<!tpu.dma_semaphore, #tpu.memory_space<semaphore_mem>>)
      %dma_wait3A_96 = arith.constant 0 : i32
      %dma_wait3A_97 = tpu.memref_slice %arg5[%add3A, %dma_wait3A_96] : memref<32x512xf32, #tpu.memory_space<hbm>> -> memref<1x512xf32, #tpu.memory_space<hbm>>
      %dma_wait3A_98 = tpu.memref_squeeze %dma_wait3A_97 : memref<1x512xf32, #tpu.memory_space<hbm>> -> memref<512xf32, #tpu.memory_space<hbm>>
      %dma_wait3A_99 = arith.constant 0 : i32
      %dma_wait3A_100 = tpu.memref_slice %arg5[%add3A, %dma_wait3A_99] : memref<32x512xf32, #tpu.memory_space<hbm>> -> memref<1x512xf32, #tpu.memory_space<hbm>>
      %dma_wait3A_101 = tpu.memref_squeeze %dma_wait3A_100 : memref<1x512xf32, #tpu.memory_space<hbm>> -> memref<512xf32, #tpu.memory_space<hbm>>
      tpu.wait_dma2 semaphore(%run_scoped3A : memref<!tpu.dma_semaphore, #tpu.memory_space<semaphore_mem>>) src(%arg11 : memref<512xf32, #tpu.memory_space<vmem>>) dst(%dma_wait3A_101 : memref<512xf32, #tpu.memory_space<hbm>>)
      tpu.yield
    }) : () -> ()
    "tpu.trace_stop"() : () -> ()
    "tpu.trace_start"() <{level = 10 : i32, message = "drain"}> : () -> ()
    %dma_wait3A = arith.constant 0 : i32
    %dma_wait3A_59 = arith.constant 0 : i32
    %dma_wait3A_60 = tpu.memref_slice %arg12[%dma_wait3A, %dma_wait3A_59] : memref<512x128xf32, #tpu.memory_space<vmem>> -> memref<128x128xf32, #tpu.memory_space<vmem>>
    %dma_wait3A_61 = arith.constant 0 : i32
    %dma_wait3A_62 = tpu.memref_slice %arg9[%dma_wait3A_61] : memref<512xi32, #tpu.memory_space<vmem>> -> memref<128xi32, #tpu.memory_space<vmem>>
    %dma_wait3A_63 = arith.constant 0 : i32
    %dma_wait3A_64 = arith.constant 0 : i32
    %dma_wait3A_65 = tpu.memref_slice %arg3[%dma_wait3A_63, %dma_wait3A_64] : memref<100000x128xf32, #tpu.memory_space<hbm>> -> memref<100000x128xf32, #tpu.memory_space<hbm>>
    tpu.wait_indirect_dma semaphore(%arg14 : memref<!tpu.dma_semaphore, #tpu.memory_space<semaphore_mem>>) src(%dma_wait3A_65 : memref<100000x128xf32, #tpu.memory_space<hbm>>) dst(%dma_wait3A_60 : memref<128x128xf32, #tpu.memory_space<vmem>>)
    %dma_wait3A_66 = arith.constant 128 : i32
    %dma_wait3A_67 = arith.constant 0 : i32
    %dma_wait3A_68 = tpu.memref_slice %arg12[%dma_wait3A_66, %dma_wait3A_67] : memref<512x128xf32, #tpu.memory_space<vmem>> -> memref<128x128xf32, #tpu.memory_space<vmem>>
    %dma_wait3A_69 = arith.constant 128 : i32
    %dma_wait3A_70 = tpu.memref_slice %arg9[%dma_wait3A_69] : memref<512xi32, #tpu.memory_space<vmem>> -> memref<128xi32, #tpu.memory_space<vmem>>
    %dma_wait3A_71 = arith.constant 0 : i32
    %dma_wait3A_72 = arith.constant 0 : i32
    %dma_wait3A_73 = tpu.memref_slice %arg3[%dma_wait3A_71, %dma_wait3A_72] : memref<100000x128xf32, #tpu.memory_space<hbm>> -> memref<100000x128xf32, #tpu.memory_space<hbm>>
    tpu.wait_indirect_dma semaphore(%arg14 : memref<!tpu.dma_semaphore, #tpu.memory_space<semaphore_mem>>) src(%dma_wait3A_73 : memref<100000x128xf32, #tpu.memory_space<hbm>>) dst(%dma_wait3A_68 : memref<128x128xf32, #tpu.memory_space<vmem>>)
    %dma_wait3A_74 = arith.constant 256 : i32
    %dma_wait3A_75 = arith.constant 0 : i32
    %dma_wait3A_76 = tpu.memref_slice %arg12[%dma_wait3A_74, %dma_wait3A_75] : memref<512x128xf32, #tpu.memory_space<vmem>> -> memref<128x128xf32, #tpu.memory_space<vmem>>
    %dma_wait3A_77 = arith.constant 256 : i32
    %dma_wait3A_78 = tpu.memref_slice %arg9[%dma_wait3A_77] : memref<512xi32, #tpu.memory_space<vmem>> -> memref<128xi32, #tpu.memory_space<vmem>>
    %dma_wait3A_79 = arith.constant 0 : i32
    %dma_wait3A_80 = arith.constant 0 : i32
    %dma_wait3A_81 = tpu.memref_slice %arg3[%dma_wait3A_79, %dma_wait3A_80] : memref<100000x128xf32, #tpu.memory_space<hbm>> -> memref<100000x128xf32, #tpu.memory_space<hbm>>
    tpu.wait_indirect_dma semaphore(%arg14 : memref<!tpu.dma_semaphore, #tpu.memory_space<semaphore_mem>>) src(%dma_wait3A_81 : memref<100000x128xf32, #tpu.memory_space<hbm>>) dst(%dma_wait3A_76 : memref<128x128xf32, #tpu.memory_space<vmem>>)
    %dma_wait3A_82 = arith.constant 384 : i32
    %dma_wait3A_83 = arith.constant 0 : i32
    %dma_wait3A_84 = tpu.memref_slice %arg12[%dma_wait3A_82, %dma_wait3A_83] : memref<512x128xf32, #tpu.memory_space<vmem>> -> memref<128x128xf32, #tpu.memory_space<vmem>>
    %dma_wait3A_85 = arith.constant 384 : i32
    %dma_wait3A_86 = tpu.memref_slice %arg9[%dma_wait3A_85] : memref<512xi32, #tpu.memory_space<vmem>> -> memref<128xi32, #tpu.memory_space<vmem>>
    %dma_wait3A_87 = arith.constant 0 : i32
    %dma_wait3A_88 = arith.constant 0 : i32
    %dma_wait3A_89 = tpu.memref_slice %arg3[%dma_wait3A_87, %dma_wait3A_88] : memref<100000x128xf32, #tpu.memory_space<hbm>> -> memref<100000x128xf32, #tpu.memory_space<hbm>>
    tpu.wait_indirect_dma semaphore(%arg14 : memref<!tpu.dma_semaphore, #tpu.memory_space<semaphore_mem>>) src(%dma_wait3A_89 : memref<100000x128xf32, #tpu.memory_space<hbm>>) dst(%dma_wait3A_84 : memref<128x128xf32, #tpu.memory_space<vmem>>)
    "tpu.region"() ({
      %run_scoped3A = tpu.sem_alloc : memref<!tpu.dma_semaphore, #tpu.memory_space<semaphore_mem>>
      %dma_start3A_90 = arith.constant 0 : i32
      %dma_start3A_91 = tpu.memref_slice %arg4[%mul3A_2, %dma_start3A_90] : memref<16384x128xf32, #tpu.memory_space<hbm>> -> memref<512x128xf32, #tpu.memory_space<hbm>>
      %dma_start3A_92 = arith.constant 0 : i32
      %dma_start3A_93 = tpu.memref_slice %arg4[%mul3A_2, %dma_start3A_92] : memref<16384x128xf32, #tpu.memory_space<hbm>> -> memref<512x128xf32, #tpu.memory_space<hbm>>
      tpu.enqueue_dma source(%arg12 : memref<512x128xf32, #tpu.memory_space<vmem>>) target(%dma_start3A_93 : memref<512x128xf32, #tpu.memory_space<hbm>>) target_semaphore(%run_scoped3A : memref<!tpu.dma_semaphore, #tpu.memory_space<semaphore_mem>>)
      %dma_wait3A_94 = arith.constant 0 : i32
      %dma_wait3A_95 = tpu.memref_slice %arg4[%mul3A_2, %dma_wait3A_94] : memref<16384x128xf32, #tpu.memory_space<hbm>> -> memref<512x128xf32, #tpu.memory_space<hbm>>
      %dma_wait3A_96 = arith.constant 0 : i32
      %dma_wait3A_97 = tpu.memref_slice %arg4[%mul3A_2, %dma_wait3A_96] : memref<16384x128xf32, #tpu.memory_space<hbm>> -> memref<512x128xf32, #tpu.memory_space<hbm>>
      tpu.wait_dma2 semaphore(%run_scoped3A : memref<!tpu.dma_semaphore, #tpu.memory_space<semaphore_mem>>) src(%arg12 : memref<512x128xf32, #tpu.memory_space<vmem>>) dst(%dma_wait3A_97 : memref<512x128xf32, #tpu.memory_space<hbm>>)
      tpu.yield
    }) : () -> ()
    "tpu.trace_stop"() : () -> ()
    return
  }
}

module attributes {stable_mosaic.version = 14 : i64} {
  func.func @_tc_body(%arg0: i32, %arg1: memref<8x128x128xf32, #tpu.memory_space<vmem>>, %arg2: memref<8x128x128xf32, #tpu.memory_space<vmem>>, %arg3: memref<1x8x128xf32, #tpu.memory_space<vmem>>, %arg4: memref<128x128xf32, #tpu.memory_space<vmem>>, %arg5: memref<1x1xf32, #tpu.memory_space<smem>>) attributes {dimension_semantics = [#tpu.dimension_semantics<arbitrary>], iteration_bounds = array<i64: 16>, scalar_prefetch = 0 : i64, scratch_operands = 0 : i64, tpu.core_type = #tpu.core_type<tc>, window_params = [{transform_indices = @transform_0, window_bounds = array<i64: 8, 128, 128>}, {transform_indices = @transform_1, window_bounds = array<i64: 8, 128, 128>}, {transform_indices = @transform_2, window_bounds = array<i64: 1, 8, 128>}, {pipeline_mode = #tpu.pipeline_mode<synchronous>, transform_indices = @transform_3, window_bounds = array<i64: 128, 128>}, {transform_indices = @transform_4, window_bounds = array<i64: 1, 1>}]} {
    %get3A = arith.constant 0 : index
    %get3A_0 = arith.constant 0 : index
    %get3A_1 = arith.constant 0 : index
    %get3A_2 = vector.load %arg1[%get3A, %get3A_0, %get3A_1] : memref<8x128x128xf32, #tpu.memory_space<vmem>>, vector<8x128x128xf32>
    %get3A_3 = arith.constant 0 : index
    %get3A_4 = arith.constant 0 : index
    %get3A_5 = arith.constant 0 : index
    %get3A_6 = vector.load %arg2[%get3A_3, %get3A_4, %get3A_5] : memref<8x128x128xf32, #tpu.memory_space<vmem>>, vector<8x128x128xf32>
    %sub3A = arith.subf %get3A_2, %get3A_6 : vector<8x128x128xf32>
    %mul3A = arith.mulf %sub3A, %sub3A : vector<8x128x128xf32>
    %get3A_7 = arith.constant 0 : index
    %get3A_8 = arith.constant 0 : index
    %get3A_9 = arith.constant 0 : index
    %get3A_10 = vector.load %arg3[%get3A_7, %get3A_8, %get3A_9] : memref<1x8x128xf32, #tpu.memory_space<vmem>>, vector<1x8x128xf32>
    %get3A_11 = vector.shape_cast %get3A_10 : vector<1x8x128xf32> to vector<8x128xf32>
    %broadcast_in_dim3A = vector.shape_cast %get3A_11 : vector<8x128xf32> to vector<8x128x1xf32>
    %mul3A_12 = vector.broadcast %broadcast_in_dim3A : vector<8x128x1xf32> to vector<8x128x128xf32>
    %mul3A_13 = arith.mulf %mul3A, %mul3A_12 : vector<8x128x128xf32>
    %slice3A = vector.extract_strided_slice %mul3A_13 {offsets = [0, 0, 0], sizes = [1, 128, 128], strides = [1, 1, 1]} : vector<8x128x128xf32> to vector<1x128x128xf32>
    %squeeze3A = vector.shape_cast %slice3A : vector<1x128x128xf32> to vector<128x128xf32>
    %slice3A_14 = vector.extract_strided_slice %mul3A_13 {offsets = [1, 0, 0], sizes = [1, 128, 128], strides = [1, 1, 1]} : vector<8x128x128xf32> to vector<1x128x128xf32>
    %squeeze3A_15 = vector.shape_cast %slice3A_14 : vector<1x128x128xf32> to vector<128x128xf32>
    %add3A = arith.addf %squeeze3A, %squeeze3A_15 : vector<128x128xf32>
    %slice3A_16 = vector.extract_strided_slice %mul3A_13 {offsets = [2, 0, 0], sizes = [1, 128, 128], strides = [1, 1, 1]} : vector<8x128x128xf32> to vector<1x128x128xf32>
    %squeeze3A_17 = vector.shape_cast %slice3A_16 : vector<1x128x128xf32> to vector<128x128xf32>
    %slice3A_18 = vector.extract_strided_slice %mul3A_13 {offsets = [3, 0, 0], sizes = [1, 128, 128], strides = [1, 1, 1]} : vector<8x128x128xf32> to vector<1x128x128xf32>
    %squeeze3A_19 = vector.shape_cast %slice3A_18 : vector<1x128x128xf32> to vector<128x128xf32>
    %add3A_20 = arith.addf %squeeze3A_17, %squeeze3A_19 : vector<128x128xf32>
    %add3A_21 = arith.addf %add3A, %add3A_20 : vector<128x128xf32>
    %slice3A_22 = vector.extract_strided_slice %mul3A_13 {offsets = [4, 0, 0], sizes = [1, 128, 128], strides = [1, 1, 1]} : vector<8x128x128xf32> to vector<1x128x128xf32>
    %squeeze3A_23 = vector.shape_cast %slice3A_22 : vector<1x128x128xf32> to vector<128x128xf32>
    %slice3A_24 = vector.extract_strided_slice %mul3A_13 {offsets = [5, 0, 0], sizes = [1, 128, 128], strides = [1, 1, 1]} : vector<8x128x128xf32> to vector<1x128x128xf32>
    %squeeze3A_25 = vector.shape_cast %slice3A_24 : vector<1x128x128xf32> to vector<128x128xf32>
    %add3A_26 = arith.addf %squeeze3A_23, %squeeze3A_25 : vector<128x128xf32>
    %slice3A_27 = vector.extract_strided_slice %mul3A_13 {offsets = [6, 0, 0], sizes = [1, 128, 128], strides = [1, 1, 1]} : vector<8x128x128xf32> to vector<1x128x128xf32>
    %squeeze3A_28 = vector.shape_cast %slice3A_27 : vector<1x128x128xf32> to vector<128x128xf32>
    %slice3A_29 = vector.extract_strided_slice %mul3A_13 {offsets = [7, 0, 0], sizes = [1, 128, 128], strides = [1, 1, 1]} : vector<8x128x128xf32> to vector<1x128x128xf32>
    %squeeze3A_30 = vector.shape_cast %slice3A_29 : vector<1x128x128xf32> to vector<128x128xf32>
    %add3A_31 = arith.addf %squeeze3A_28, %squeeze3A_30 : vector<128x128xf32>
    %add3A_32 = arith.addf %add3A_26, %add3A_31 : vector<128x128xf32>
    %add3A_33 = arith.addf %add3A_21, %add3A_32 : vector<128x128xf32>
    %eq3A = arith.constant 0 : i32
    %eq3A_34 = arith.cmpi eq, %arg0, %eq3A : i32
    %convert_element_type3A = arith.extui %eq3A_34 : i1 to i32
    %cond3A = arith.constant 0 : i32
    %cond3A_35 = arith.cmpi ne, %convert_element_type3A, %cond3A : i32
    scf.if %cond3A_35 {
      %broadcast_in_dim3A_47 = arith.constant 0.000000e+00 : f32
      %broadcast_in_dim3A_48 = vector.broadcast %broadcast_in_dim3A_47 : f32 to vector<128x128xf32>
      %swap3A_49 = arith.constant 0 : index
      %swap3A_50 = arith.constant 0 : index
      %swap3A_51 = vector.load %arg4[%swap3A_49, %swap3A_50] : memref<128x128xf32, #tpu.memory_space<vmem>>, vector<128x128xf32>
      tpu.vector_store %arg4[%swap3A_49, %swap3A_50], %broadcast_in_dim3A_48 {strides = array<i32>} : memref<128x128xf32, #tpu.memory_space<vmem>>, vector<128x128xf32>,
    } else {
    }
    %get3A_36 = arith.constant 0 : index
    %get3A_37 = arith.constant 0 : index
    %get3A_38 = vector.load %arg4[%get3A_36, %get3A_37] : memref<128x128xf32, #tpu.memory_space<vmem>>, vector<128x128xf32>
    %add3A_39 = arith.addf %get3A_38, %add3A_33 : vector<128x128xf32>
    %swap3A = arith.constant 0 : index
    %swap3A_40 = arith.constant 0 : index
    %swap3A_41 = vector.load %arg4[%swap3A, %swap3A_40] : memref<128x128xf32, #tpu.memory_space<vmem>>, vector<128x128xf32>
    tpu.vector_store %arg4[%swap3A, %swap3A_40], %add3A_39 {strides = array<i32>} : memref<128x128xf32, #tpu.memory_space<vmem>>, vector<128x128xf32>,
    %eq3A_42 = arith.constant 15 : i32
    %eq3A_43 = arith.cmpi eq, %arg0, %eq3A_42 : i32
    %convert_element_type3A_44 = arith.extui %eq3A_43 : i1 to i32
    %cond3A_45 = arith.constant 0 : i32
    %cond3A_46 = arith.cmpi ne, %convert_element_type3A_44, %cond3A_45 : i32
    scf.if %cond3A_46 {
      %get3A_47 = arith.constant 0 : index
      %get3A_48 = arith.constant 0 : index
      %get3A_49 = vector.load %arg4[%get3A_47, %get3A_48] : memref<128x128xf32, #tpu.memory_space<vmem>>, vector<128x128xf32>
      %reduce_sum3A = vector.shape_cast %get3A_49 : vector<128x128xf32> to vector<1x128x128xf32>
      %reduce_sum3A_50 = arith.constant dense<0.000000e+00> : vector<1xf32>
      %reduce_sum3A_51 = vector.multi_reduction <add>, %reduce_sum3A, %reduce_sum3A_50 [1, 2] : vector<1x128x128xf32> to vector<1xf32>
      %reduce_sum3A_52 = vector.shape_cast %reduce_sum3A_51 : vector<1xf32> to vector<1x1x1xf32>
      %reduce_sum3A_53 = vector.extract %reduce_sum3A_52[0, 0, 0] : f32 from vector<1x1x1xf32>
      %swap3A_54 = arith.constant 0 : index
      %swap3A_55 = arith.constant 0 : index
      %swap3A_56 = memref.load %arg5[%swap3A_54, %swap3A_55] : memref<1x1xf32, #tpu.memory_space<smem>>
      memref.store %reduce_sum3A_53, %arg5[%swap3A_54, %swap3A_55] : memref<1x1xf32, #tpu.memory_space<smem>>
    } else {
    }
    return
  }
  func.func @transform_0(%arg0: i32) -> (i32, i32, i32) {
    %c0_i32 = arith.constant 0 : i32
    %c0_i32_0 = arith.constant 0 : i32
    %c0_i32_1 = arith.constant 0 : i32
    return %arg0, %c0_i32, %c0_i32_0 : i32, i32, i32
  }
  func.func @transform_1(%arg0: i32) -> (i32, i32, i32) {
    %c0_i32 = arith.constant 0 : i32
    %c0_i32_0 = arith.constant 0 : i32
    %c0_i32_1 = arith.constant 0 : i32
    return %arg0, %c0_i32, %c0_i32_0 : i32, i32, i32
  }
  func.func @transform_2(%arg0: i32) -> (i32, i32, i32) {
    %c0_i32 = arith.constant 0 : i32
    %c0_i32_0 = arith.constant 0 : i32
    %c0_i32_1 = arith.constant 0 : i32
    return %arg0, %c0_i32, %c0_i32_0 : i32, i32, i32
  }
  func.func @transform_3(%arg0: i32) -> (i32, i32) {
    %c0_i32 = arith.constant 0 : i32
    %c0_i32_0 = arith.constant 0 : i32
    %c0_i32_1 = arith.constant 0 : i32
    return %c0_i32, %c0_i32_0 : i32, i32
  }
  func.func @transform_4(%arg0: i32) -> (i32, i32) {
    %c0_i32 = arith.constant 0 : i32
    %c0_i32_0 = arith.constant 0 : i32
    %c0_i32_1 = arith.constant 0 : i32
    return %c0_i32, %c0_i32_0 : i32, i32
  }
}

</mosaic_0001>

<sc_bundles>
// kernel: kernel.4.cloned.1.call-start
scs
__scs_entry_jumppad:
0x0: {  	(pc) =	sbr.rel $0x88, $3  }
0x1: {  	(tag) =	ssettag $0x0;
	lr =	simm.s32 $0x1  }
0x2: {  	[smem:$0x3F9E] =	sst lr;
	_ =	strace $0xD0000000  }
0x3: {  	_ = 	snop  }
0x4: {  	_ = 	snop  }
0x5: {  	_ = 	snop  }
0x6: {  	_ = 	snop  }
0x7: {  	_ = 	snop  }
__scs_overlays_trampoline_lowered:
0x8: {  	[smem:$0x3FAD] =	sst s0  }
0x9: {  	[smem:$0x3FAE] =	sst s1  }
0xa: {  	[smem:$0x3FAF] =	sst s2  }
0xb: {  	[smem:$0x3FB0] =	sst s3  }
0xc: {  	[smem:$0x3FB1] =	sst s4  }
0xd: {  	[smem:$0x3FB2] =	sst s5  }
0xe: {  	[smem:$0x3FB3] =	sst s6  }
0xf: {  	[smem:$0x3FB4] =	sst s7  }
0x10: {  	[smem:$0x3FB5] =	sst s8  }
0x11: {  	[smem:$0x3FB6] =	sst s9;
	s0 =	simm.s32 @!p0 $0x0  }
0x12: {  	s1 =	sld [smem:$0x3F9C];
	s0 =	simm.s32 @p0 $0x1  }
0x13: {  	[smem:$0x3FB7] =	sst s0;
	s0 =	simm.s32 @!p1 $0x0  }
0x14: {  	s2 =	sld [smem:$0x3F9B];
	s0 =	simm.s32 @p1 $0x1  }
0x15: {  	[smem:$0x3FB8] =	sst s0;
	s0 =	simm.s32 @!p2 $0x0  }
0x16: {  	s3 =	sld [smem:$0x3FDB];
	s0 =	simm.s32 @p2 $0x1  }
0x17: {  	s4 =	simm.s32 $0x1BF5;
	[smem:$0x3FBA] =	sst s0  }
0x18: {  	s0 =	sld [smem:$0x3F9D];
	_ =	swait.ge [sflag:s4], $0x0  }
0x19: {  	s7 =	sld [smem:$0x3F9E]  }
0x1a: {  	s8 =	sadd.s32 $0xFFFFE003, lr  }
0x1b: {  	s9 =	sadd.s32 $0xFFFFFEF7, lr;
	s5 =	simm.s32 $0xFFFFFFFF;
	p2 =	slt.u32 s8, $0xFFFFF086  }
0x1c: {  	p1 =	slt.u32 s9, $0xF7A;
	s5 =	simm.s32 @!p2 $0x0  }
0x1d: {  	s5 =	simm.s32 @p1 $0x1;
	p0 =	seq.s32 s7, s2  }
0x1e: {  	s7 =	smul.u32 @!p0 $0xF7A, s2;
	p2 =	seq.s32 @!p0 s5, $0x0  }
0x1f: {  	s9 =	smul.u32 $0xF7A, s1;
	s8 =	simm.s32 @!p0 $0x1BF5;
	p2 =	por !p2, p0  }
0x20: {  	[sflag:s8] =	ssyncset.s32 @!p0 $0xFFFFF086;
	s6 =	sadd.s32 @!p0 s3, s7;
	s7 =	simm.s32 @!p0 $0x108  }
0x21: {  	s3 =	sadd.s32 s3, s9;
	s6 =	sadd.s32 @!p0 $0x88, s6;
	s7 =	simm.s32 @p2 $0x1082  }
0x22: {  	[simem:s7], [sflag:s8] =	dma.local @!p0 [hbm:s6], $0xF7A  }
0x23: {  	s9 =	sor.u32 $0xD0000000, s2;
	s6 =	simm.s32 $0x108;
	_ =	swait.ge @!p0 [sflag:s8], $0x0  }
0x24: {  	s3 =	sadd.s32 $0x88, s3;
	s6 =	simm.s32 @!p1 $0x1082;
	[sflag:s4] =	ssyncset.s32 $0xFFFFF086  }
0x25: {  	[simem:s6], [sflag:s4] =	dma.local [hbm:s3], $0xF7A  }
0x26: {  	[smem:$0x3F9E] =	sst s1;
	(tag) =	ssettag s2;
	_ =	strace s9  }
0x27: {  	s1 =	sld [smem:$0x3FAE]  }
0x28: {  	s2 =	sld [smem:$0x3FAF]  }
0x29: {  	s4 =	sld [smem:$0x3FB1]  }
0x2a: {  	p0 =	seq.s32 s5, $0x0;
	s5 =	sld [smem:$0x3FB2]  }
0x2b: {  	s6 =	sld [smem:$0x3FB3]  }
0x2c: {  	s7 =	sld [smem:$0x3FB4]  }
0x2d: {  	s3 =	simm.s32 $0x108;
	s8 =	sld [smem:$0x3FB5]  }
0x2e: {  	s3 =	simm.s32 @!p0 $0x1082;
	s9 =	sld [smem:$0x3FB6]  }
0x2f: {  	lr =	sadd.s32 s0, s3;
	s0 =	sld [smem:$0x3FAD]  }
0x30: {  	s3 =	sld [smem:$0x3FB0]  }
0x31: {  	[smem:$0x3FB9] =	sst s10  }
0x32: {  	s10 =	sld [smem:$0x3FB7];
	_ =	sdelay $0x3  }
0x33: {  	p0 =	seq.s32 s10, $0x1;
	s10 =	sld [smem:$0x3FB9];
	_ =	sdelay $0x3  }
0x34: {  	[smem:$0x3FB9] =	sst s10  }
0x35: {  	s10 =	sld [smem:$0x3FB8];
	_ =	sdelay $0x3  }
0x36: {  	p1 =	seq.s32 s10, $0x1;
	s10 =	sld [smem:$0x3FB9];
	_ =	sdelay $0x3  }
0x37: {  	[smem:$0x3FB9] =	sst s10  }
0x38: {  	s10 =	sld [smem:$0x3FBA]  }
0x39: {  	_ = 	snop;
	(pc) =	sbr.ind lr, $3  }
0x3a: {  	_ = 	snop  }
0x3b: {  	_ = 	snop  }
0x3c: {  	p2 =	seq.s32 s10, $0x1;
	s10 =	sld [smem:$0x3FB9]  }
0x3d: {  	_ =	shalt  }
0x3e: {  	_ =	shalt  }
0x3f: {  	_ =	shalt  }
0x40: {  	_ =	shalt  }
0x41: {  	_ =	shalt  }
0x42: {  	_ =	shalt  }
0x43: {  	_ =	shalt  }
0x44: {  	_ =	shalt  }
0x45: {  	_ =	shalt  }
0x46: {  	_ =	shalt  }
0x47: {  	_ =	shalt  }
0x48: {  	_ =	shalt  }
0x49: {  	_ =	shalt  }
0x4a: {  	_ =	shalt  }
0x4b: {  	_ =	shalt  }
0x4c: {  	_ =	shalt  }
0x4d: {  	_ =	shalt  }
0x4e: {  	_ =	shalt  }
0x4f: {  	_ =	shalt  }
0x50: {  	_ =	shalt  }
0x51: {  	_ =	shalt  }
0x52: {  	_ =	shalt  }
0x53: {  	_ =	shalt  }
0x54: {  	_ =	shalt  }
0x55: {  	_ =	shalt  }
0x56: {  	_ =	shalt  }
0x57: {  	_ =	shalt  }
0x58: {  	_ =	shalt  }
0x59: {  	_ =	shalt  }
0x5a: {  	_ =	shalt  }
0x5b: {  	_ =	shalt  }
0x5c: {  	_ =	shalt  }
0x5d: {  	_ =	shalt  }
0x5e: {  	_ =	shalt  }
0x5f: {  	_ =	shalt  }
0x60: {  	_ =	shalt  }
0x61: {  	_ =	shalt  }
0x62: {  	_ =	shalt  }
0x63: {  	_ =	shalt  }
0x64: {  	_ =	shalt  }
0x65: {  	_ =	shalt  }
0x66: {  	_ =	shalt  }
0x67: {  	_ =	shalt  }
0x68: {  	_ =	shalt  }
0x69: {  	_ =	shalt  }
0x6a: {  	_ =	shalt  }
0x6b: {  	_ =	shalt  }
0x6c: {  	_ =	shalt  }
0x6d: {  	_ =	shalt  }
0x6e: {  	_ =	shalt  }
0x6f: {  	_ =	shalt  }
0x70: {  	_ =	shalt  }
0x71: {  	_ =	shalt  }
0x72: {  	_ =	shalt  }
0x73: {  	_ =	shalt  }
0x74: {  	_ =	shalt  }
0x75: {  	_ =	shalt  }
0x76: {  	_ =	shalt  }
0x77: {  	_ =	shalt  }
0x78: {  	_ =	shalt  }
0x79: {  	_ =	shalt  }
0x7a: {  	_ =	shalt  }
0x7b: {  	_ =	shalt  }
0x7c: {  	_ =	shalt  }
0x7d: {  	_ =	shalt  }
0x7e: {  	_ =	shalt  }
0x7f: {  	_ =	shalt  }
0x80: {  	_ =	shalt  }
0x81: {  	_ =	shalt  }
0x82: {  	_ =	shalt  }
0x83: {  	_ =	shalt  }
0x84: {  	_ =	shalt  }
0x85: {  	_ =	shalt  }
0x86: {  	_ =	shalt  }
0x87: {  	_ =	shalt  }
.Lfunc_end0:
.L_simem_size_0:
called_computation_lowered:
.L_overlay_start_0:
0x88: {  	s2 =	sld [smem:$0x3FD9]  }
0x89: {  	s3 =	sld [smem:$0x3FFE];
	_ =	sdelay $0x1  }
0x8a: {  	s1 =	srdreg.scid  }
0x8b: {  	s0 =	sand.u32 $0x1, s1  }
0x8c: {  	s17 =	sshll.u32 s0, $0xA;
	s2 =	sadd.s32 s3, s2  }
0x8d: {  	s2 =	sadd.s32 s2, s17  }
0x8e: {  	[smem:$0x3FC5] =	sst s2  }
0x8f: {  	_ = 	snop  }
0x90: {  	s2 =	sld [smem:$0x3FC9]  }
0x91: {  	s18 =	sld [smem:$0x3FC7];
	(tm) =	ssettm $0x1  }
0x92: {  	s4 =	sld [smem:$0x3FFB];
	_ =	sdelay $0x3  }
0x93: {  	_ =	strace s4  }
0x94: {  	s4 =	sld [smem:$0x3FFC];
	_ =	sdelay $0x3  }
0x95: {  	_ =	strace s4  }
0x96: {  	s4 =	sld [smem:$0x3FFD];
	_ =	sdelay $0x3  }
0x97: {  	_ =	strace s4  }
0x98: {  	_ =	strace $0x8FFFFFFF  }
0x99: {  	s19 =	sld [smem:$0x3FDB];
	_ =	sdelay $0x1  }
0x9a: {  	s5 =	simm.s32 $_scs_section_size  }
0x9b: {  	s6 =	simm.s32 $_size__tile_overlayer_lowered;
	s7 =	simm.s32 $_tile_overlayer_lowered  }
0x9c: {  	s22 =	simm.s32 $0x1BFF;
	s21 =	sshll.u32 s7, $0x1;
	s4 =	sadd.s32 s5, s19  }
0x9d: {  	s8 =	simm.s32 $0x0;
	s20 =	sshll.u32 s6, $0x1;
	s6 =	sadd.s32 s21, s4  }
0x9e: {  	[timem:s8], [sflag:s22] =	dma.local [hbm:s6], s20  }
0x9f: {  	_ =	swait.ge [sflag:s22], s20  }
0xa0: {  	s5 =	ssub.s32 $0x0, s20;
	[sflag:s22] =	ssyncset.done $0x0  }
0xa1: {  	[sflag:s22] =	ssyncadd.s32 s5;
	_ =	sdelay $0x1  }
0xa2: {  	s23 =	simm.s32 $0x1B8B  }
0xa3: {  	_ =	swait.ge [sflag:s23], $0x1  }
0xa4: {  	[sflag:s23] =	ssyncset.done $0x0  }
0xa5: {  	s25 =	simm.s32 $0x1B8E;
	s24 =	sld [smem:$0x3FFE];
	[sflag:s23] =	ssyncadd.s32 $0xFFFFFFFF  }
0xa6: {  	s26 =	simm.s32 $execute0_lowered;
	[smem:$0x3FD2] =	sst s25  }
0xa7: {  	s6 =	sshll.u32 s26, $0x1;
	_ =	strace $0x80000046;
	[dreg:$0x1] =	wrdreg $0xFFFFFFFF  }
0xa8: {  	s28 =	simm.s32 $_size_execute0_lowered;
	s4 =	sadd.s32 s4, s6;
	[dreg:$0x0] =	wrdreg $0x0  }
0xa9: {  	s6 =	sshll.u32 s28, $0x1;
	[dreg:$0x2] =	wrdreg s4  }
0xaa: {  	[dreg:$0x3] =	wrdreg s6  }
0xab: {  	[dreg:$0x4] =	wrdreg $0xC0  }
0xac: {  	_ =	task [dreg:s8], $0x5FFFF  }
0xad: {  	[dreg:$0x1] =	wrdreg $0xFFFFFFFF  }
0xae: {  	[dreg:$0x0] =	wrdreg $0x60  }
0xaf: {  	[dreg:$0x2] =	wrdreg s2  }
0xb0: {  	[dreg:$0x3] =	wrdreg s18  }
0xb1: {  	[dreg:$0x4] =	wrdreg s24  }
0xb2: {  	[dreg:$0x5] =	wrdreg $0x126800  }
0xb3: {  	[dreg:$0x6] =	wrdreg $0x9  }
0xb4: {  	_ =	task.clear_ibuf [dreg:s8], $0x7FFFF;
	_ =	strace $0x90000046  }
0xb5: {  	s29 =	simm.s32 $0x9;
	_ =	strace $0x8000004C  }
0xb6: {  	_ =	swait.ge [sflag:s29], $0x1  }
0xb7: {  	[sflag:s29] =	ssyncadd.s32 $0xFFFFFFFF  }
0xb8: {  	_ =	strace $0x9000004C  }
0xb9: {  	_ =	sfence  }
0xba: {  	s30 =	sld [smem:$0x0];
	_ =	sdelay $0x2  }
0xbb: {  	s31 =	sshll.u32 s1, $0xD;
	s1 =	sshrl.u32 s1, $0x2  }
0xbc: {  	s3 =	sand.u32 $0x4000, s31;
	s1 =	sadd.s32 s1, s30  }
0xbd: {  	s0 =	sor.u32 s3, s0;
	s1 =	sshll.u32 s1, $0x11  }
0xbe: {  	s0 =	sor.u32 s1, s0  }
0xbf: {  	s0 =	sadd.s32 $0x8F2B, s0  }
0xc0: {  	[sflag:s0] =	ssyncadd.remote.s32 $0x1  }
0xc1: {  	_ =	sfence.sel $0xFFFF  }
0xc2: {  	[dreg:$0x0] =	wrdreg $0xFFFFFFFF;
	(pc) =	sbr.abs _section_cstart, $3  }
0xc3: {  	[dreg:$0x1] =	wrdreg $0xFFFFFFFF  }
0xc4: {  	_ =	task.clear_ibuf [dreg:s8], $0x2FFFF;
	_ =	strace $0x9FFFFFFF  }
0xc5: {  	(tm) =	ssettm $0x7FFFFFFF  }
tec
execute0_lowered:
.L_overlay_start_1:
0x0: {  	(tag) =	ssettag $0x1  }
0x1: {  	s7 =	rddreg [dreg:$0x0]  }
0x2: {  	s0 =	rddreg [dreg:$0x1]  }
0x3: {  	s1 =	srdreg.scid;
	s5 =	rddreg [dreg:$0x2]  }
0x4: {  	s3 =	rddreg [dreg:$0x3];
	s2 =	stileid.u32;
	s14 =	simm.s32 $0x2680  }
0x5: {  	s15 =	simm.s32 $0x2100;
	s16 =	simm.s32 $0x6680;
	s17 =	simm.s32 $0x2180  }
0x6: {  	s18 =	simm.s32 $0xA680;
	s19 =	simm.s32 $0x2200;
	s20 =	simm.s32 $0xE680  }
0x7: {  	s21 =	simm.s32 $0x1C80;
	s22 =	simm.s32 $0x400;
	s23 =	simm.s32 $0x1880  }
0x8: {  	s24 =	simm.s32 $0x200;
	s28 =	simm.s32 $0x1;
	s29 =	simm.s32 $0x0  }
0x9: {  	s6 =	sand.u32 $0x1, s1;
	s1 =	rddreg [dreg:$0x4];
	s9 =	sshll.u32 s2, $0x7  }
0xa: {  	s25 =	smul.u32 $0x6200, s2;
	s4 =	sshll.u32 s6, $0x4;
	s11 =	sand.u32 $0x380, s9  }
0xb: {  	s6 =	ssub.s32 $0x2, s6;
	s8 =	sor.u32 s2, s4;
	s4 =	simm.s32 $0x0  }
0xc: {  	s26 =	sshrl.u32 s6, $0x1;
	s31 =	sshrl.u32 s25, $0x2;
	s25 =	simm.s32 $0x2280  }
0xd: {  	s10 =	sshll.u32 s8, $0x9;
	[smem:$0x7FF] =	sst s4;
	s12 =	sshll.u32 s8, $0xD  }
0xe: {  	s13 =	ssub.s32 s6, s26;
	s30 =	sshll.u32 s8, $0x6;
	s10 =	sand.u32 $0x3000, s10  }
0xf: {  	s6 =	sadd.s32 s31, s3;
	s26 =	simm.s32 $0x2480;
	s10 =	sor.u32 s11, s10  }
0x10: {  	_ =	strace $0x80000047;
	s12 =	sadd.s32 s12, s5;
	s10 =	sshrl.u32 s10, $0x3  }
0x11: {  	s11 =	simm.s32 $0x2080;
	s10 =	sadd.s32 s10, s5;
	s5 =	sadd.s32 s7, s30  }
0x12: {  	s7 =	sadd.s32 s7, s9;
	s9 =	sadd.s32 $0x1600, s12;
	s12 =	simm.s32 $0x2  }
0x13: {  	v0 =	vimm.f32 $0.0e+00;
	v1 =	vimm.f32 $1.000000000e+00;
	s8 =	sadd.s32 $0xE00, s10;
	s10 =	smax.u32 s13, $0x1;
	s13 =	simm.s32 $0x80  }
.LBB2_1:
0x14: {  	[tilespmem:s11], [sflag:$0x2] =	stream.linear.gather [hbm4b:s5+s4], $0x200, $0x38;
	[tilespmem:$0x13F00] =	vst v63  }
0x15: {  	_ =	swait.ge [sflag:s12], $0x200  }
0x16: {  	[sflag:s12] =	ssyncset.done $0x0  }
0x17: {  	[sflag:s12] =	ssyncadd.s32 $0xFFFFFE00  }
0x18: {  	[tilespmem:s14], [sflag:$0x1] =	stream.indirect.gather [hbm4b:s0+s13], $0x80, s11, s13, $0xb8;
	[tilespmem:$0x13F00] =	vst v63  }
0x19: {  	_ = 	snop  }
0x1a: {  	[tilespmem:s16], [sflag:$0x1] =	stream.indirect.gather [hbm4b:s0+s13], $0x80, s15, s13, $0xb8;
	[tilespmem:$0x13F00] =	vst v63  }
0x1b: {  	_ = 	snop  }
0x1c: {  	[tilespmem:s18], [sflag:$0x1] =	stream.indirect.gather [hbm4b:s0+s13], $0x80, s17, s13, $0xb8;
	[tilespmem:$0x13F00] =	vst v63  }
0x1d: {  	s30 =	simm.s32 $0x40  }
0x1e: {  	[tilespmem:s20], [sflag:$0x1] =	stream.indirect.gather [hbm4b:s0+s13], $0x80, s19, s13, $0xb8;
	[tilespmem:$0x13F00] =	vst v63  }
0x1f: {  	_ =	strace $0x80000048;
	[tilespmem:s30+$0xFFFFFFC0] =	vst v0  }
0x20: {  	[tilespmem:s30+$0x30] =	vst v0  }
0x21: {  	[tilespmem:s30+$0x20] =	vst v0  }
0x22: {  	[tilespmem:s30+$0x10] =	vst v0  }
0x23: {  	[tilespmem:s30+$0x0] =	vst v0  }
0x24: {  	[tilespmem:s30+$0xFFFFFFF0] =	vst v0  }
0x25: {  	s31 =	simm.s32 $0x0;
	[tilespmem:s30+$0xFFFFFFE0] =	vst v0  }
.LBB2_2:
0x26: {  	s31 =	sadd.s32 $0x8, s31;
	[tilespmem:s30+$0xFFFFFFD0] =	vst v0;
	s30 =	sadd.s32 $0x80, s30  }
0x27: {  	[tilespmem:s30+$0xFFFFFFC0] =	vst v0;
	p0 =	slt.u32 s31, $0x180  }
0x28: {  	[tilespmem:s30+$0x30] =	vst v0  }
.Ltmp0:
0x29: {  	[tilespmem:s30+$0x20] =	vst v0;
	(pc) =	sbr.rel @p0 .LBB2_2-.Ltmp0, $4  }
0x2a: {  	[tilespmem:s30+$0x10] =	vst v0  }
0x2b: {  	[tilespmem:s30+$0x0] =	vst v0  }
0x2c: {  	[tilespmem:s30+$0xFFFFFFF0] =	vst v0  }
0x2d: {  	[tilespmem:s30+$0xFFFFFFE0] =	vst v0  }
0x2e: {  	[tilespmem:s30+$0xFFFFFFD0] =	vst v0  }
0x2f: {  	[tilespmem:$0x1880] =	vst v1  }
0x30: {  	[tilespmem:$0x1890] =	vst v1  }
0x31: {  	[tilespmem:$0x18A0] =	vst v1  }
0x32: {  	[tilespmem:$0x18B0] =	vst v1  }
0x33: {  	[tilespmem:$0x18C0] =	vst v1  }
0x34: {  	[tilespmem:$0x18D0] =	vst v1  }
0x35: {  	[tilespmem:$0x18E0] =	vst v1  }
0x36: {  	[tilespmem:$0x18F0] =	vst v1  }
0x37: {  	[tilespmem:$0x1900] =	vst v1  }
0x38: {  	[tilespmem:$0x1910] =	vst v1  }
0x39: {  	[tilespmem:$0x1920] =	vst v1  }
0x3a: {  	[tilespmem:$0x1930] =	vst v1  }
0x3b: {  	[tilespmem:$0x1940] =	vst v1  }
0x3c: {  	[tilespmem:$0x1950] =	vst v1  }
0x3d: {  	[tilespmem:$0x1960] =	vst v1  }
0x3e: {  	[tilespmem:$0x1970] =	vst v1  }
0x3f: {  	[tilespmem:$0x1980] =	vst v1  }
0x40: {  	[tilespmem:$0x1990] =	vst v1  }
0x41: {  	[tilespmem:$0x19A0] =	vst v1  }
0x42: {  	[tilespmem:$0x19B0] =	vst v1  }
0x43: {  	[tilespmem:$0x19C0] =	vst v1  }
0x44: {  	[tilespmem:$0x19D0] =	vst v1  }
0x45: {  	[tilespmem:$0x19E0] =	vst v1  }
0x46: {  	[tilespmem:$0x19F0] =	vst v1  }
0x47: {  	[tilespmem:$0x1A00] =	vst v1  }
0x48: {  	[tilespmem:$0x1A10] =	vst v1  }
0x49: {  	[tilespmem:$0x1A20] =	vst v1  }
0x4a: {  	[tilespmem:$0x1A30] =	vst v1  }
0x4b: {  	[tilespmem:$0x1A40] =	vst v1  }
0x4c: {  	[tilespmem:$0x1A50] =	vst v1  }
0x4d: {  	[tilespmem:$0x1A60] =	vst v1  }
0x4e: {  	[tilespmem:$0x1A70] =	vst v1  }
0x4f: {  	[tilespmem:$0x1A80] =	vst v1  }
0x50: {  	[tilespmem:$0x1A90] =	vst v1  }
0x51: {  	[tilespmem:$0x1AA0] =	vst v1  }
0x52: {  	[tilespmem:$0x1AB0] =	vst v1  }
0x53: {  	[tilespmem:$0x1AC0] =	vst v1  }
0x54: {  	[tilespmem:$0x1AD0] =	vst v1  }
0x55: {  	[tilespmem:$0x1AE0] =	vst v1  }
0x56: {  	[tilespmem:$0x1AF0] =	vst v1  }
0x57: {  	[tilespmem:$0x1B00] =	vst v1  }
0x58: {  	[tilespmem:$0x1B10] =	vst v1  }
0x59: {  	[tilespmem:$0x1B20] =	vst v1  }
0x5a: {  	[tilespmem:$0x1B30] =	vst v1  }
0x5b: {  	[tilespmem:$0x1B40] =	vst v1  }
0x5c: {  	[tilespmem:$0x1B50] =	vst v1  }
0x5d: {  	[tilespmem:$0x1B60] =	vst v1  }
0x5e: {  	[tilespmem:$0x1B70] =	vst v1  }
0x5f: {  	[tilespmem:$0x1B80] =	vst v1  }
0x60: {  	[tilespmem:$0x1B90] =	vst v1  }
0x61: {  	[tilespmem:$0x1BA0] =	vst v1  }
0x62: {  	[tilespmem:$0x1BB0] =	vst v1  }
0x63: {  	[tilespmem:$0x1BC0] =	vst v1  }
0x64: {  	[tilespmem:$0x1BD0] =	vst v1  }
0x65: {  	[tilespmem:$0x1BE0] =	vst v1  }
0x66: {  	[tilespmem:$0x1BF0] =	vst v1  }
0x67: {  	[tilespmem:$0x1C00] =	vst v1  }
0x68: {  	[tilespmem:$0x1C10] =	vst v1  }
0x69: {  	[tilespmem:$0x1C20] =	vst v1  }
0x6a: {  	[tilespmem:$0x1C30] =	vst v1  }
0x6b: {  	[tilespmem:$0x1C40] =	vst v1  }
0x6c: {  	[tilespmem:$0x1C50] =	vst v1  }
0x6d: {  	[tilespmem:$0x1C60] =	vst v1  }
0x6e: {  	[tilespmem:$0x1C70] =	vst v1  }
0x6f: {  	_ =	strace $0x90000048  }
0x70: {  	_ =	strace $0x80000049  }
0x71: {  	[spmem:s6] =	stream.linear.scatter [tilespmem:s4], [sflag:$0x2], $0x1880, $0x200038;
	[tilespmem:$0x13F00] =	vst v63  }
0x72: {  	_ =	swait.ge [sflag:s12], $0x1880  }
0x73: {  	[sflag:s12] =	ssyncset.done $0x0  }
0x74: {  	[sflag:s12] =	ssyncadd.s32 $0xFFFFE780  }
0x75: {  	[tilespmem:s21], [sflag:$0x2] =	stream.linear.gather [hbm4b:s7+s4], $0x400, $0x200038;
	[tilespmem:$0x13F00] =	vst v63  }
0x76: {  	_ =	swait.ge [sflag:s12], $0x400  }
0x77: {  	[sflag:s12] =	ssyncset.done $0x0  }
0x78: {  	[sflag:s12] =	ssyncadd.s32 $0xFFFFFC00  }
0x79: {  	[bflag:$0x0] =	sbarrier.arrive $0xFFFF  }
0x7a: {  	[spmem:s3] =	stream.indirect.scatter.add.f32 [tilespmem:s23], [sflag:$0x2], $0x1, s21, s22, $0x2000b8;
	[tilespmem:$0x13F00] =	vst v63  }
0x7b: {  	_ =	swait.ge [sflag:s12], $0x400  }
0x7c: {  	[sflag:s12] =	ssyncset.done $0x0  }
0x7d: {  	[sflag:s12] =	ssyncadd.s32 $0xFFFFFC00  }
0x7e: {  	[bflag:$0x0] =	sbarrier.arrive $0xFFFF  }
0x7f: {  	_ =	strace $0x90000049  }
0x80: {  	_ =	strace $0x8000004A  }
0x81: {  	[tilespmem:s25], [sflag:$0x2] =	stream.indirect.gather [spmem:s3], $0x1, s11, s24, $0x2000b8;
	[tilespmem:$0x13F00] =	vst v63  }
0x82: {  	_ =	swait.ge [sflag:s12], $0x200  }
0x83: {  	[sflag:s12] =	ssyncset.done $0x0  }
0x84: {  	[sflag:s12] =	ssyncadd.s32 $0xFFFFFE00  }
0x85: {  	v2 =	vld [tilespmem:$0x2280]  }
0x86: {  	v3 =	vld [tilespmem:$0x2290]  }
0x87: {  	v4 =	vld [tilespmem:$0x22A0]  }
0x88: {  	v5 =	vld [tilespmem:$0x22B0]  }
0x89: {  	v6 =	vld [tilespmem:$0x22C0]  }
0x8a: {  	v7 =	vld [tilespmem:$0x22D0];
	v2 =	vadd.f32 $1.000000000e+00, v2  }
0x8b: {  	v8 =	vld [tilespmem:$0x22E0];
	v3 =	vadd.f32 $1.000000000e+00, v3  }
0x8c: {  	v50 =	vld [tilespmem:$0x22F0];
	(erf) = vrcp.f32 v2;
	v2 =	vadd.f32 $1.000000000e+00, v4  }
0x8d: {  	v51 =	vld [tilespmem:$0x2300];
	(erf) = vrcp.f32 v3;
	v3 =	vadd.f32 $1.000000000e+00, v5  }
0x8e: {  	v52 =	vld [tilespmem:$0x2310];
	(erf) = vrcp.f32 v2;
	v2 =	vadd.f32 $1.000000000e+00, v6  }
0x8f: {  	v53 =	vld [tilespmem:$0x2320];
	(erf) = vrcp.f32 v3;
	v3 =	vadd.f32 $1.000000000e+00, v7  }
0x90: {  	v54 =	vld [tilespmem:$0x2330];
	(erf) = vrcp.f32 v2;
	v2 =	vadd.f32 $1.000000000e+00, v8  }
0x91: {  	v55 =	vld [tilespmem:$0x2340];
	(erf) = vrcp.f32 v3;
	v3 =	vadd.f32 $1.000000000e+00, v50  }
0x92: {  	v56 =	vld [tilespmem:$0x2350];
	(erf) = vrcp.f32 v2;
	v2 =	vadd.f32 $1.000000000e+00, v51  }
0x93: {  	v57 =	vld [tilespmem:$0x2360];
	(erf) = vrcp.f32 v3;
	v3 =	vadd.f32 $1.000000000e+00, v52  }
0x94: {  	v58 =	vld [tilespmem:$0x2370];
	(erf) = vrcp.f32 v2;
	v2 =	vadd.f32 $1.000000000e+00, v53  }
0x95: {  	v59 =	vld [tilespmem:$0x2380];
	v9 =	vpop (erf);
	(erf) = vrcp.f32 v3;
	v3 =	vadd.f32 $1.000000000e+00, v54  }
0x96: {  	v60 =	vld [tilespmem:$0x2390];
	v10 =	vpop (erf);
	(erf) = vrcp.f32 v2;
	v2 =	vadd.f32 $1.000000000e+00, v55  }
0x97: {  	v61 =	vld [tilespmem:$0x23A0];
	v11 =	vpop (erf);
	(erf) = vrcp.f32 v3;
	v3 =	vadd.f32 $1.000000000e+00, v56  }
0x98: {  	v12 =	vld [tilespmem:$0x23B0];
	v63 =	vpop (erf);
	(erf) = vrcp.f32 v2;
	v2 =	vadd.f32 $1.000000000e+00, v57  }
0x99: {  	v15 =	vld [tilespmem:$0x23C0];
	v9 =	vmul.f32 $5.000000000e-01, v9;
	v14 =	vpop (erf);
	(erf) = vrcp.f32 v3;
	v3 =	vadd.f32 $1.000000000e+00, v58  }
0x9a: {  	v18 =	vld [tilespmem:$0x23D0];
	v10 =	vmul.f32 $5.000000000e-01, v10;
	v17 =	vpop (erf);
	(erf) = vrcp.f32 v2;
	v2 =	vadd.f32 $1.000000000e+00, v59  }
0x9b: {  	v21 =	vld [tilespmem:$0x23E0];
	v62 =	vmul.f32 $5.000000000e-01, v11;
	v20 =	vpop (erf);
	(erf) = vrcp.f32 v3;
	v3 =	vadd.f32 $1.000000000e+00, v60  }
0x9c: {  	v24 =	vld [tilespmem:$0x23F0];
	[tilespmem:$0x2480] =	vst v9;
	v13 =	vmul.f32 $5.000000000e-01, v63;
	v23 =	vpop (erf);
	(erf) = vrcp.f32 v2;
	v2 =	vadd.f32 $1.000000000e+00, v61  }
0x9d: {  	v27 =	vld [tilespmem:$0x2400];
	[tilespmem:$0x2490] =	vst v10;
	v16 =	vmul.f32 $5.000000000e-01, v14;
	v26 =	vpop (erf);
	(erf) = vrcp.f32 v3;
	v3 =	vadd.f32 $1.000000000e+00, v12  }
0x9e: {  	v30 =	vld [tilespmem:$0x2410];
	[tilespmem:$0x24A0] =	vst v62;
	v19 =	vmul.f32 $5.000000000e-01, v17;
	v29 =	vpop (erf);
	(erf) = vrcp.f32 v2;
	v2 =	vadd.f32 $1.000000000e+00, v15  }
0x9f: {  	[tilespmem:$0x24B0] =	vst v13;
	v22 =	vmul.f32 $5.000000000e-01, v20;
	v32 =	vpop (erf);
	(erf) = vrcp.f32 v3;
	v3 =	vadd.f32 $1.000000000e+00, v18  }
0xa0: {  	[tilespmem:$0x24C0] =	vst v16;
	v25 =	vmul.f32 $5.000000000e-01, v23;
	v35 =	vpop (erf);
	(erf) = vrcp.f32 v2;
	v2 =	vadd.f32 $1.000000000e+00, v21  }
0xa1: {  	v33 =	vld [tilespmem:$0x2420];
	[tilespmem:$0x24D0] =	vst v19;
	v28 =	vmul.f32 $5.000000000e-01, v26;
	v38 =	vpop (erf);
	(erf) = vrcp.f32 v3;
	v3 =	vadd.f32 $1.000000000e+00, v24  }
0xa2: {  	[tilespmem:$0x24E0] =	vst v22;
	v31 =	vmul.f32 $5.000000000e-01, v29;
	v41 =	vpop (erf);
	(erf) = vrcp.f32 v2;
	v2 =	vadd.f32 $1.000000000e+00, v27  }
0xa3: {  	[tilespmem:$0x24F0] =	vst v25;
	v34 =	vmul.f32 $5.000000000e-01, v32;
	v44 =	vpop (erf);
	(erf) = vrcp.f32 v3;
	v3 =	vadd.f32 $1.000000000e+00, v30  }
0xa4: {  	v36 =	vld [tilespmem:$0x2430];
	[tilespmem:$0x2500] =	vst v28;
	v37 =	vmul.f32 $5.000000000e-01, v35;
	v47 =	vpop (erf);
	(erf) = vrcp.f32 v2  }
0xa5: {  	v39 =	vld [tilespmem:$0x2440];
	[tilespmem:$0x2510] =	vst v31;
	v49 =	vpop (erf);
	(erf) = vrcp.f32 v3;
	v3 =	vmul.f32 $5.000000000e-01, v47  }
0xa6: {  	v42 =	vld [tilespmem:$0x2450];
	[tilespmem:$0x2520] =	vst v34;
	v40 =	vmul.f32 $5.000000000e-01, v38;
	v2 =	vadd.f32 $1.000000000e+00, v33  }
0xa7: {  	v45 =	vld [tilespmem:$0x2460];
	[tilespmem:$0x2530] =	vst v37;
	v43 =	vmul.f32 $5.000000000e-01, v41  }
0xa8: {  	v48 =	vld [tilespmem:$0x2470];
	[tilespmem:$0x2540] =	vst v40;
	v50 =	vpop (erf);
	(erf) = vrcp.f32 v2;
	v2 =	vmul.f32 $5.000000000e-01, v49  }
0xa9: {  	v4 =	vadd.f32 $1.000000000e+00, v36;
	v46 =	vmul.f32 $5.000000000e-01, v44;
	[tilespmem:$0x2570] =	vst v3;
	v3 =	vpop (erf)  }
0xaa: {  	v5 =	vadd.f32 $1.000000000e+00, v39;
	[tilespmem:$0x2550] =	vst v43;
	v3 =	vmul.f32 $5.000000000e-01, v3  }
0xab: {  	v6 =	vadd.f32 $1.000000000e+00, v42;
	[tilespmem:$0x2560] =	vst v46;
	v51 =	vmul.f32 $5.000000000e-01, v50;
	(erf) = vrcp.f32 v4  }
0xac: {  	v52 =	vadd.f32 $1.000000000e+00, v45;
	[tilespmem:$0x2580] =	vst v2;
	v2 =	vpop (erf);
	(erf) = vrcp.f32 v5  }
0xad: {  	v54 =	vadd.f32 $1.000000000e+00, v48;
	[tilespmem:$0x2590] =	vst v51;
	v53 =	vpop (erf);
	(erf) = vrcp.f32 v6;
	v2 =	vmul.f32 $5.000000000e-01, v2  }
0xae: {  	[tilespmem:$0x25A0] =	vst v3;
	v4 =	vmul.f32 $5.000000000e-01, v53;
	v3 =	vpop (erf);
	(erf) = vrcp.f32 v52  }
0xaf: {  	[tilespmem:$0x25B0] =	vst v2;
	v2 =	vmul.f32 $5.000000000e-01, v3;
	v3 =	vpop (erf);
	(erf) = vrcp.f32 v54  }
0xb0: {  	[tilespmem:$0x25C0] =	vst v4;
	v55 =	vpop (erf);
	v3 =	vmul.f32 $5.000000000e-01, v3  }
0xb1: {  	v56 =	vpop (erf);
	[tilespmem:$0x25D0] =	vst v2;
	v2 =	vmul.f32 $5.000000000e-01, v55  }
0xb2: {  	v57 =	vpop (erf);
	[tilespmem:$0x25E0] =	vst v3;
	v3 =	vmul.f32 $5.000000000e-01, v56  }
0xb3: {  	v58 =	vpop (erf);
	[tilespmem:$0x25F0] =	vst v2;
	v2 =	vmul.f32 $5.000000000e-01, v57  }
0xb4: {  	v59 =	vpop (erf);
	[tilespmem:$0x2600] =	vst v3;
	v3 =	vmul.f32 $5.000000000e-01, v58  }
0xb5: {  	v60 =	vpop (erf);
	[tilespmem:$0x2610] =	vst v2;
	v2 =	vmul.f32 $5.000000000e-01, v59  }
0xb6: {  	v61 =	vpop (erf);
	[tilespmem:$0x2620] =	vst v3;
	v3 =	vmul.f32 $5.000000000e-01, v60  }
0xb7: {  	v62 =	vpop (erf);
	[tilespmem:$0x2630] =	vst v2;
	v2 =	vmul.f32 $5.000000000e-01, v61  }
0xb8: {  	[tilespmem:$0x2640] =	vst v3;
	v3 =	vmul.f32 $5.000000000e-01, v62;
	v63 =	vpop (erf)  }
0xb9: {  	[tilespmem:$0x2650] =	vst v2;
	v2 =	vmul.f32 $5.000000000e-01, v63  }
0xba: {  	[tilespmem:$0x2660] =	vst v3  }
0xbb: {  	[tilespmem:$0x2670] =	vst v2  }
0xbc: {  	[hbm4b:s8+s13] =	stream.strided.scatter [tilespmem:s26], [sflag:$0x2], $0x200, s22, s13, $0x200038;
	[tilespmem:$0x13F00] =	vst v63  }
0xbd: {  	_ =	swait.ge [sflag:s12], $0x200  }
0xbe: {  	[sflag:s12] =	ssyncset.done $0x0  }
0xbf: {  	[sflag:s12] =	ssyncadd.s32 $0xFFFFFE00  }
0xc0: {  	_ =	strace $0x9000004A  }
0xc1: {  	_ =	strace $0x8000004B  }
0xc2: {  	_ =	swait.ge [sflag:s28], $0x4000  }
0xc3: {  	[sflag:s28] =	ssyncset.done $0x0  }
0xc4: {  	[sflag:s28] =	ssyncadd.s32 $0xFFFFC000  }
0xc5: {  	_ =	swait.ge [sflag:s28], $0x4000  }
0xc6: {  	[sflag:s28] =	ssyncset.done $0x0  }
0xc7: {  	[sflag:s28] =	ssyncadd.s32 $0xFFFFC000  }
0xc8: {  	_ =	swait.ge [sflag:s28], $0x4000  }
0xc9: {  	[sflag:s28] =	ssyncset.done $0x0  }
0xca: {  	[sflag:s28] =	ssyncadd.s32 $0xFFFFC000  }
0xcb: {  	_ =	swait.ge [sflag:s28], $0x4000  }
0xcc: {  	s29 =	sadd.s32 $0x1, s29;
	[sflag:s28] =	ssyncset.done $0x0  }
0xcd: {  	p0 =	sne.s32 s29, s10;
	[sflag:s28] =	ssyncadd.s32 $0xFFFFC000  }
0xce: {  	[hbm4b:s9+s4] =	stream.linear.scatter [tilespmem:s14], [sflag:$0x2], $0x10000, $0x200038;
	[tilespmem:$0x13F00] =	vst v63  }
.Ltmp1:
0xcf: {  	_ = 	snop;
	(pc) =	sbr.rel @p0 .LBB2_1-.Ltmp1, $4  }
0xd0: {  	_ =	swait.ge [sflag:s12], $0x10000  }
0xd1: {  	[sflag:s12] =	ssyncset.done $0x0  }
0xd2: {  	[sflag:s12] =	ssyncadd.s32 $0xFFFF0000  }
0xd3: {  	_ =	strace $0x9000004B  }
0xd4: {  	_ =	sfence.sel $0x180000  }
0xd5: {  	[bflag:$0x0] =	sbarrier.arrive $0xFFFF  }
0xd6: {  	p0 =	sne.s32 s2, $0x0;
	_ =	strace $0x90000047  }
0xd7: {  	s0 =	sadd.s32 @!p0 $0x100000, s1;
	[bflag:$0x2] =	sbarrier.arrive $0xFFFF  }
0xd8: {  	[sflag:s0] =	ssyncadd.tile.s32 @!p0 $0x1;
	_ =	shalt  }
.Lfunc_end2:
_tile_overlayer_lowered:
.L_overlay_start_2:
0xd9: {  	(tag) =	ssettag $0x2  }
0xda: {  	s0 =	rddreg [dreg:$0x0];
	s2 =	stileid.u32  }
0xdb: {  	s1 =	rddreg [dreg:$0x1];
	p0 =	sne.s32 s2, $0x0  }
0xdc: {  	s3 =	rddreg [dreg:$0x2];
	[bflag:$0x3] =	sbarrier.arrive $0xFFFF;
	s2 =	simm.s32 @!p0 $0x1C02  }
0xdd: {  	[timem:s3], [sflag:s2] =	dma.local @!p0 [hbm:s0], s1  }
0xde: {  	s0 =	simm.s32 @!p0 $0x2  }
0xdf: {  	_ =	swait.ge @!p0 [sflag:s0], s1  }
0xe0: {  	s1 =	ssub.s32 @!p0 $0x0, s1;
	[sflag:s0] =	ssyncset.done @!p0 $0x0  }
0xe1: {  	[sflag:s0] =	ssyncadd.s32 @!p0 s1  }
0xe2: {  	[bflag:$0x3] =	sbarrier.arrive $0xFFFF  }
0xe3: {  	_ =	shalt  }

</sc_bundles>
